<compile_context>
chip_gen: v7x
topology: tpu7x:2x2x1
jax: 0.10.2.dev20260603
libtpu: 0.0.44.dev20260713+nightly
codegen_flags: <defaults>
</compile_context>

<pallas_src>
import functools

import jax
import jax.numpy as jnp
from jax import lax
from jax.experimental import pallas as pl
from jax.experimental.pallas import tpu as pltpu
from jax.experimental.pallas import tpu_sc as plsc

_LANES = 128


def _make_segsum(N, E, D):
    DC = D // 2
    NCH = E // _LANES
    NTILES = 16
    base_per_tile = NCH // NTILES
    rem = NCH - base_per_tile * NTILES
    NBUF = 3
    npairs = base_per_tile // NBUF
    assert npairs * NBUF == base_per_tile
    rows_main = (N // NTILES) // 8 * 8
    rows_tail = N - rows_main * NTILES

    mesh = plsc.VectorSubcoreMesh(core_axis_name="c", subcore_axis_name="s")

    @functools.partial(
        pl.kernel,
        mesh=mesh,
        out_type=jax.ShapeDtypeStruct((N, D), jnp.float32),
        scratch_types=[
            pltpu.VMEM((NBUF, _LANES), jnp.int32),
            pltpu.VMEM((NBUF * _LANES, DC), jnp.float32),
            pltpu.VMEM_SHARED((N, DC), jnp.float32),
            pltpu.SemaphoreType.DMA,
            pltpu.SemaphoreType.DMA,
            pltpu.SemaphoreType.DMA,
        ],
    )
    def segsum(h_hbm, dst_hbm, out_hbm, idx_v, hbuf, acc_sh,
               sem0, sem1, sem2):
        cc = lax.axis_index("c")
        sid = lax.axis_index("s")
        col0 = cc * DC
        r0 = sid * rows_main
        sems = (sem0, sem1, sem2)

        chunk_base = sid * base_per_tile
        last_chunk = chunk_base + base_per_tile - 1

        def copies(b, ch):
            e0 = ch * _LANES
            return (
                pltpu.make_async_copy(
                    h_hbm.at[pl.ds(e0, _LANES), pl.ds(col0, DC)],
                    hbuf.at[pl.ds(b * _LANES, _LANES)],
                    sems[b],
                ),
                pltpu.make_async_copy(
                    dst_hbm.at[pl.ds(e0, _LANES)], idx_v.at[b], sems[b]
                ),
            )

        def start_load(b, ch):
            for c in copies(b, ch):
                c.start()

        def wait_load(b, ch):
            for c in copies(b, ch):
                c.wait()

        zvec = jnp.zeros((16,), jnp.float32)

        def zrow(r, carry):
            for j in range(DC // 16):
                hbuf[r, pl.ds(j * 16, 16)] = zvec
            return carry

        lax.fori_loop(0, _LANES, zrow, 0)
        zbuf = hbuf.at[pl.ds(0, _LANES)]
        nfull = rows_main // _LANES
        for t in range(nfull):
            pltpu.sync_copy(zbuf, acc_sh.at[pl.ds(r0 + t * _LANES, _LANES)])
        rpart = rows_main - nfull * _LANES
        if rpart:
            pltpu.sync_copy(
                hbuf.at[pl.ds(0, rpart)],
                acc_sh.at[pl.ds(r0 + nfull * _LANES, rpart)],
            )

        @pl.when(sid == NTILES - 1)
        def _():
            pltpu.sync_copy(
                hbuf.at[pl.ds(0, rows_tail)],
                acc_sh.at[pl.ds(NTILES * rows_main, rows_tail)],
            )

        plsc.subcore_barrier()

        for b in range(NBUF):
            start_load(b, chunk_base + b)

        def pbody(p, carry):
            for b in range(NBUF):
                ch = chunk_base + p * NBUF + b
                wait_load(b, ch)
                pltpu.sync_copy(
                    hbuf.at[pl.ds(b * _LANES, _LANES)],
                    acc_sh.at[idx_v.at[b]],
                    add=True,
                )
                start_load(b, jnp.minimum(ch + NBUF, last_chunk))
            return carry

        lax.fori_loop(0, npairs, pbody, 0)

        for b in range(NBUF):
            wait_load(b, last_chunk)

        if rem:
            @pl.when(sid < rem)
            def _():
                ch = NTILES * base_per_tile + sid
                e0 = ch * _LANES
                pltpu.sync_copy(dst_hbm.at[pl.ds(e0, _LANES)], idx_v.at[0])
                pltpu.sync_copy(
                    h_hbm.at[pl.ds(e0, _LANES), pl.ds(col0, DC)],
                    hbuf.at[pl.ds(0, _LANES)],
                )
                pltpu.sync_copy(
                    hbuf.at[pl.ds(0, _LANES)],
                    acc_sh.at[idx_v.at[0]],
                    add=True,
                )

        plsc.subcore_barrier()
        pltpu.sync_copy(
            acc_sh.at[pl.ds(r0, rows_main)],
            out_hbm.at[pl.ds(r0, rows_main), pl.ds(col0, DC)],
        )

        @pl.when(sid == NTILES - 1)
        def _():
            pltpu.sync_copy(
                acc_sh.at[pl.ds(NTILES * rows_main, rows_tail)],
                out_hbm.at[pl.ds(NTILES * rows_main, rows_tail),
                           pl.ds(col0, DC)],
            )

    return segsum


def _make_linrelu(M, K1, K2, DO):
    BM = 5000

    def body(nodes_ref, si_ref, w1_ref, w2_ref, b_ref, o_ref):
        acc = jnp.dot(nodes_ref[...].astype(jnp.bfloat16),
                      w1_ref[...].astype(jnp.bfloat16),
                      preferred_element_type=jnp.float32)
        acc = acc + jnp.dot(si_ref[...].astype(jnp.bfloat16),
                            w2_ref[...].astype(jnp.bfloat16),
                            preferred_element_type=jnp.float32)
        o_ref[...] = jnp.maximum(acc + b_ref[...], 0.0)

    return pl.pallas_call(
        body,
        grid=(M // BM,),
        in_specs=[
            pl.BlockSpec((BM, K1), lambda i: (i, 0)),
            pl.BlockSpec((BM, K2), lambda i: (i, 0)),
            pl.BlockSpec((K1, DO), lambda i: (0, 0)),
            pl.BlockSpec((K2, DO), lambda i: (1, 0)),
            pl.BlockSpec((1, DO), lambda i: (0, 0)),
        ],
        out_specs=pl.BlockSpec((BM, DO), lambda i: (i, 0)),
        out_shape=jax.ShapeDtypeStruct((M, DO), jnp.float32),
    )


def kernel(nodes, h, edge_dst, W, b):
    N, DN = nodes.shape
    E, DE = h.shape
    DO = W.shape[1]

    sum_inc = _make_segsum(N, E, DE)(h, edge_dst)
    out = _make_linrelu(N, DN, DE, DO)(
        nodes, sum_inc, W, W, b.reshape(1, DO)
    )
    return out

# --- scband reference (transcript-rebuilt; emitter-appended) ---
"""Pipeline reference for scband-vec-atom-updater-30107720745234 (READ-ONLY COPY).

The authoritative reference and input builder live on the scoring server;
editing this copy changes nothing except your own understanding.
"""

import jax, jax.numpy as jnp
import numpy as np

N = 10000
E = 160000
D_NODE = 256
D_EDGE = 256
D_IN = D_NODE + D_EDGE
D_OUT = 300


def setup_inputs(seed: int = 0) -> dict:
    key = jax.random.key(seed)
    k1, k2, k3, k4 = jax.random.split(key, 4)
    nodes = jax.random.normal(k1, (N, D_NODE), dtype=jnp.float32)
    h = jax.random.normal(k2, (E, D_EDGE), dtype=jnp.float32)
    # edge_dst[e] = destination atom index of edge e; equivalent to the
    # row indices of the sparse incidence matrix inc_edges_to_atom_matrix[N, E]
    edge_dst = jax.random.randint(k3, (E,), 0, N, dtype=jnp.int32)
    # Linear(in_channels=512, out_channels=300) parameters
    bound = 1.0 / np.sqrt(D_IN)
    kW, kb = jax.random.split(k4)
    W = jax.random.uniform(kW, (D_IN, D_OUT), minval=-bound, maxval=bound, dtype=jnp.float32)
    b = jax.random.uniform(kb, (D_OUT,), minval=-bound, maxval=bound, dtype=jnp.float32)
    return {"nodes": nodes, "h": h, "edge_dst": edge_dst, "W": W, "b": b}


def reference(nodes, h, edge_dst, W, b):
    # torch.sparse.mm(inc_edges_to_atom_matrix, h): incidence matrix has a 1 at
    # (atom, edge) when edge is incident to atom, so the product is a
    # scatter-add (segment sum) of edge hidden states onto their dst atoms.
    sum_inc_edges = jax.ops.segment_sum(h, edge_dst, num_segments=N)
    atom_embeddings = jnp.concatenate([nodes, sum_inc_edges], axis=1)
    # self.lin = Sequential(Linear(in, out), ReLU()) since output_layer=False
    atom_updates = jax.nn.relu(atom_embeddings @ W + b)
    return atom_updates

if __name__ == "__main__":
    import jax
    _d = setup_inputs()
    print(jax.jit(kernel)(*tuple(_d.values())))

</pallas_src>

<mosaic_0001>
#map = affine_map<(d0, d1) -> (0, 0)>
#map1 = affine_map<(d0, d1) -> (0)>
module attributes {stable_mosaic.version = 14 : i64} {
  func.func @segsum(%arg0: i32, %arg1: i32, %arg2: memref<160000x256xf32, #tpu.memory_space<hbm>>, %arg3: memref<160000xi32, #tpu.memory_space<hbm>>, %arg4: memref<10000x256xf32, #tpu.memory_space<hbm>>, %arg5: memref<3x128xi32, #tpu.memory_space<vmem>>, %arg6: memref<384x128xf32, #tpu.memory_space<vmem>>, %arg7: memref<10000x128xf32, #tpu.memory_space<vmem_shared>>, %arg8: memref<!tpu.dma_semaphore, #tpu.memory_space<semaphore_mem>>, %arg9: memref<!tpu.dma_semaphore, #tpu.memory_space<semaphore_mem>>, %arg10: memref<!tpu.dma_semaphore, #tpu.memory_space<semaphore_mem>>) attributes {dimension_semantics = [#tpu.dimension_semantics<core_parallel>, #tpu.dimension_semantics<subcore_parallel>], iteration_bounds = array<i64: 2, 16>, scalar_prefetch = 0 : i64, scratch_operands = 6 : i64, tpu.core_type = #tpu.core_type<sc_vector_subcore>, window_params = [{transform_indices = #map}, {transform_indices = #map1}, {transform_indices = #map}]} {
    %mul3A = arith.constant 128 : i32
    %mul3A_0 = arith.muli %arg0, %mul3A : i32
    %mul3A_1 = arith.constant 624 : i32
    %mul3A_2 = arith.muli %arg1, %mul3A_1 : i32
    %mul3A_3 = arith.constant 78 : i32
    %mul3A_4 = arith.muli %arg1, %mul3A_3 : i32
    %add3A = arith.constant 78 : i32
    %add3A_5 = arith.addi %mul3A_4, %add3A : i32
    %sub3A = arith.constant 1 : i32
    %sub3A_6 = arith.subi %add3A_5, %sub3A : i32
    %broadcast_in_dim3A = arith.constant 0.000000e+00 : f32
    %broadcast_in_dim3A_7 = vector.broadcast %broadcast_in_dim3A : f32 to vector<16xf32>
    %scan3A = arith.constant 0 : i32
    %scan3A_8 = arith.constant 0 : i32
    %scan3A_9 = arith.constant 128 : i32
    %scan3A_10 = arith.addi %scan3A_8, %scan3A_9 : i32
    %scan3A_11 = arith.constant 1 : i32
    scf.for %scan3A_159 = %scan3A_8 to %scan3A_10 step %scan3A_11  : i32 {
      %swap3A = arith.index_cast %scan3A_159 : i32 to index
      %swap3A_160 = arith.constant 0 : index
      %swap3A_161 = tpu.vector_load %arg6[%swap3A, %swap3A_160] {strides = array<i32>} : memref<384x128xf32, #tpu.memory_space<vmem>>, vector<1x16xf32>,
      %swap3A_162 = vector.shape_cast %swap3A_161 : vector<1x16xf32> to vector<16xf32>
      %swap3A_163 = vector.shape_cast %broadcast_in_dim3A_7 : vector<16xf32> to vector<1x16xf32>
      tpu.vector_store %arg6[%swap3A, %swap3A_160], %swap3A_163 {strides = array<i32>} : memref<384x128xf32, #tpu.memory_space<vmem>>, vector<1x16xf32>,
      %swap3A_164 = arith.index_cast %scan3A_159 : i32 to index
      %swap3A_165 = arith.constant 16 : index
      %swap3A_166 = tpu.vector_load %arg6[%swap3A_164, %swap3A_165] {strides = array<i32>} : memref<384x128xf32, #tpu.memory_space<vmem>>, vector<1x16xf32>,
      %swap3A_167 = vector.shape_cast %swap3A_166 : vector<1x16xf32> to vector<16xf32>
      %swap3A_168 = vector.shape_cast %broadcast_in_dim3A_7 : vector<16xf32> to vector<1x16xf32>
      tpu.vector_store %arg6[%swap3A_164, %swap3A_165], %swap3A_168 {strides = array<i32>} : memref<384x128xf32, #tpu.memory_space<vmem>>, vector<1x16xf32>,
      %swap3A_169 = arith.index_cast %scan3A_159 : i32 to index
      %swap3A_170 = arith.constant 32 : index
      %swap3A_171 = tpu.vector_load %arg6[%swap3A_169, %swap3A_170] {strides = array<i32>} : memref<384x128xf32, #tpu.memory_space<vmem>>, vector<1x16xf32>,
      %swap3A_172 = vector.shape_cast %swap3A_171 : vector<1x16xf32> to vector<16xf32>
      %swap3A_173 = vector.shape_cast %broadcast_in_dim3A_7 : vector<16xf32> to vector<1x16xf32>
      tpu.vector_store %arg6[%swap3A_169, %swap3A_170], %swap3A_173 {strides = array<i32>} : memref<384x128xf32, #tpu.memory_space<vmem>>, vector<1x16xf32>,
      %swap3A_174 = arith.index_cast %scan3A_159 : i32 to index
      %swap3A_175 = arith.constant 48 : index
      %swap3A_176 = tpu.vector_load %arg6[%swap3A_174, %swap3A_175] {strides = array<i32>} : memref<384x128xf32, #tpu.memory_space<vmem>>, vector<1x16xf32>,
      %swap3A_177 = vector.shape_cast %swap3A_176 : vector<1x16xf32> to vector<16xf32>
      %swap3A_178 = vector.shape_cast %broadcast_in_dim3A_7 : vector<16xf32> to vector<1x16xf32>
      tpu.vector_store %arg6[%swap3A_174, %swap3A_175], %swap3A_178 {strides = array<i32>} : memref<384x128xf32, #tpu.memory_space<vmem>>, vector<1x16xf32>,
      %swap3A_179 = arith.index_cast %scan3A_159 : i32 to index
      %swap3A_180 = arith.constant 64 : index
      %swap3A_181 = tpu.vector_load %arg6[%swap3A_179, %swap3A_180] {strides = array<i32>} : memref<384x128xf32, #tpu.memory_space<vmem>>, vector<1x16xf32>,
      %swap3A_182 = vector.shape_cast %swap3A_181 : vector<1x16xf32> to vector<16xf32>
      %swap3A_183 = vector.shape_cast %broadcast_in_dim3A_7 : vector<16xf32> to vector<1x16xf32>
      tpu.vector_store %arg6[%swap3A_179, %swap3A_180], %swap3A_183 {strides = array<i32>} : memref<384x128xf32, #tpu.memory_space<vmem>>, vector<1x16xf32>,
      %swap3A_184 = arith.index_cast %scan3A_159 : i32 to index
      %swap3A_185 = arith.constant 80 : index
      %swap3A_186 = tpu.vector_load %arg6[%swap3A_184, %swap3A_185] {strides = array<i32>} : memref<384x128xf32, #tpu.memory_space<vmem>>, vector<1x16xf32>,
      %swap3A_187 = vector.shape_cast %swap3A_186 : vector<1x16xf32> to vector<16xf32>
      %swap3A_188 = vector.shape_cast %broadcast_in_dim3A_7 : vector<16xf32> to vector<1x16xf32>
      tpu.vector_store %arg6[%swap3A_184, %swap3A_185], %swap3A_188 {strides = array<i32>} : memref<384x128xf32, #tpu.memory_space<vmem>>, vector<1x16xf32>,
      %swap3A_189 = arith.index_cast %scan3A_159 : i32 to index
      %swap3A_190 = arith.constant 96 : index
      %swap3A_191 = tpu.vector_load %arg6[%swap3A_189, %swap3A_190] {strides = array<i32>} : memref<384x128xf32, #tpu.memory_space<vmem>>, vector<1x16xf32>,
      %swap3A_192 = vector.shape_cast %swap3A_191 : vector<1x16xf32> to vector<16xf32>
      %swap3A_193 = vector.shape_cast %broadcast_in_dim3A_7 : vector<16xf32> to vector<1x16xf32>
      tpu.vector_store %arg6[%swap3A_189, %swap3A_190], %swap3A_193 {strides = array<i32>} : memref<384x128xf32, #tpu.memory_space<vmem>>, vector<1x16xf32>,
      %swap3A_194 = arith.index_cast %scan3A_159 : i32 to index
      %swap3A_195 = arith.constant 112 : index
      %swap3A_196 = tpu.vector_load %arg6[%swap3A_194, %swap3A_195] {strides = array<i32>} : memref<384x128xf32, #tpu.memory_space<vmem>>, vector<1x16xf32>,
      %swap3A_197 = vector.shape_cast %swap3A_196 : vector<1x16xf32> to vector<16xf32>
      %swap3A_198 = vector.shape_cast %broadcast_in_dim3A_7 : vector<16xf32> to vector<1x16xf32>
      tpu.vector_store %arg6[%swap3A_194, %swap3A_195], %swap3A_198 {strides = array<i32>} : memref<384x128xf32, #tpu.memory_space<vmem>>, vector<1x16xf32>,
    }
    %scan3A_12 = arith.constant 128 : i32
    %add3A_13 = arith.constant 0 : i32
    %add3A_14 = arith.addi %mul3A_2, %add3A_13 : i32
    "tpu.region"() ({
      %run_scoped3A = tpu.sem_alloc : memref<!tpu.dma_semaphore, #tpu.memory_space<semaphore_mem>>
      %dma_start3A_159 = arith.constant 0 : i32
      %dma_start3A_160 = arith.constant 0 : i32
      %dma_start3A_161 = tpu.memref_slice %arg6[%dma_start3A_159, %dma_start3A_160] : memref<384x128xf32, #tpu.memory_space<vmem>> -> memref<128x128xf32, #tpu.memory_space<vmem>>
      %dma_start3A_162 = arith.constant 0 : i32
      %dma_start3A_163 = tpu.memref_slice %arg7[%add3A_14, %dma_start3A_162] : memref<10000x128xf32, #tpu.memory_space<vmem_shared>> -> memref<128x128xf32, #tpu.memory_space<vmem_shared>>
      %dma_start3A_164 = arith.constant 0 : i32
      %dma_start3A_165 = tpu.memref_slice %arg7[%add3A_14, %dma_start3A_164] : memref<10000x128xf32, #tpu.memory_space<vmem_shared>> -> memref<128x128xf32, #tpu.memory_space<vmem_shared>>
      %dma_start3A_166 = arith.constant 0 : i32
      %dma_start3A_167 = arith.constant 0 : i32
      %dma_start3A_168 = tpu.memref_slice %arg6[%dma_start3A_166, %dma_start3A_167] : memref<384x128xf32, #tpu.memory_space<vmem>> -> memref<128x128xf32, #tpu.memory_space<vmem>>
      tpu.enqueue_dma source(%dma_start3A_168 : memref<128x128xf32, #tpu.memory_space<vmem>>) target(%dma_start3A_165 : memref<128x128xf32, #tpu.memory_space<vmem_shared>>) target_semaphore(%run_scoped3A : memref<!tpu.dma_semaphore, #tpu.memory_space<semaphore_mem>>)
      %dma_wait3A_169 = arith.constant 0 : i32
      %dma_wait3A_170 = arith.constant 0 : i32
      %dma_wait3A_171 = tpu.memref_slice %arg6[%dma_wait3A_169, %dma_wait3A_170] : memref<384x128xf32, #tpu.memory_space<vmem>> -> memref<128x128xf32, #tpu.memory_space<vmem>>
      %dma_wait3A_172 = arith.constant 0 : i32
      %dma_wait3A_173 = tpu.memref_slice %arg7[%add3A_14, %dma_wait3A_172] : memref<10000x128xf32, #tpu.memory_space<vmem_shared>> -> memref<128x128xf32, #tpu.memory_space<vmem_shared>>
      %dma_wait3A_174 = arith.constant 0 : i32
      %dma_wait3A_175 = tpu.memref_slice %arg7[%add3A_14, %dma_wait3A_174] : memref<10000x128xf32, #tpu.memory_space<vmem_shared>> -> memref<128x128xf32, #tpu.memory_space<vmem_shared>>
      %dma_wait3A_176 = arith.constant 0 : i32
      %dma_wait3A_177 = arith.constant 0 : i32
      %dma_wait3A_178 = tpu.memref_slice %arg6[%dma_wait3A_176, %dma_wait3A_177] : memref<384x128xf32, #tpu.memory_space<vmem>> -> memref<128x128xf32, #tpu.memory_space<vmem>>
      tpu.wait_dma2 semaphore(%run_scoped3A : memref<!tpu.dma_semaphore, #tpu.memory_space<semaphore_mem>>) src(%dma_wait3A_178 : memref<128x128xf32, #tpu.memory_space<vmem>>) dst(%dma_wait3A_175 : memref<128x128xf32, #tpu.memory_space<vmem_shared>>)
      tpu.yield
    }) : () -> ()
    %add3A_15 = arith.constant 128 : i32
    %add3A_16 = arith.addi %mul3A_2, %add3A_15 : i32
    "tpu.region"() ({
      %run_scoped3A = tpu.sem_alloc : memref<!tpu.dma_semaphore, #tpu.memory_space<semaphore_mem>>
      %dma_start3A_159 = arith.constant 0 : i32
      %dma_start3A_160 = arith.constant 0 : i32
      %dma_start3A_161 = tpu.memref_slice %arg6[%dma_start3A_159, %dma_start3A_160] : memref<384x128xf32, #tpu.memory_space<vmem>> -> memref<128x128xf32, #tpu.memory_space<vmem>>
      %dma_start3A_162 = arith.constant 0 : i32
      %dma_start3A_163 = tpu.memref_slice %arg7[%add3A_16, %dma_start3A_162] : memref<10000x128xf32, #tpu.memory_space<vmem_shared>> -> memref<128x128xf32, #tpu.memory_space<vmem_shared>>
      %dma_start3A_164 = arith.constant 0 : i32
      %dma_start3A_165 = tpu.memref_slice %arg7[%add3A_16, %dma_start3A_164] : memref<10000x128xf32, #tpu.memory_space<vmem_shared>> -> memref<128x128xf32, #tpu.memory_space<vmem_shared>>
      %dma_start3A_166 = arith.constant 0 : i32
      %dma_start3A_167 = arith.constant 0 : i32
      %dma_start3A_168 = tpu.memref_slice %arg6[%dma_start3A_166, %dma_start3A_167] : memref<384x128xf32, #tpu.memory_space<vmem>> -> memref<128x128xf32, #tpu.memory_space<vmem>>
      tpu.enqueue_dma source(%dma_start3A_168 : memref<128x128xf32, #tpu.memory_space<vmem>>) target(%dma_start3A_165 : memref<128x128xf32, #tpu.memory_space<vmem_shared>>) target_semaphore(%run_scoped3A : memref<!tpu.dma_semaphore, #tpu.memory_space<semaphore_mem>>)
      %dma_wait3A_169 = arith.constant 0 : i32
      %dma_wait3A_170 = arith.constant 0 : i32
      %dma_wait3A_171 = tpu.memref_slice %arg6[%dma_wait3A_169, %dma_wait3A_170] : memref<384x128xf32, #tpu.memory_space<vmem>> -> memref<128x128xf32, #tpu.memory_space<vmem>>
      %dma_wait3A_172 = arith.constant 0 : i32
      %dma_wait3A_173 = tpu.memref_slice %arg7[%add3A_16, %dma_wait3A_172] : memref<10000x128xf32, #tpu.memory_space<vmem_shared>> -> memref<128x128xf32, #tpu.memory_space<vmem_shared>>
      %dma_wait3A_174 = arith.constant 0 : i32
      %dma_wait3A_175 = tpu.memref_slice %arg7[%add3A_16, %dma_wait3A_174] : memref<10000x128xf32, #tpu.memory_space<vmem_shared>> -> memref<128x128xf32, #tpu.memory_space<vmem_shared>>
      %dma_wait3A_176 = arith.constant 0 : i32
      %dma_wait3A_177 = arith.constant 0 : i32
      %dma_wait3A_178 = tpu.memref_slice %arg6[%dma_wait3A_176, %dma_wait3A_177] : memref<384x128xf32, #tpu.memory_space<vmem>> -> memref<128x128xf32, #tpu.memory_space<vmem>>
      tpu.wait_dma2 semaphore(%run_scoped3A : memref<!tpu.dma_semaphore, #tpu.memory_space<semaphore_mem>>) src(%dma_wait3A_178 : memref<128x128xf32, #tpu.memory_space<vmem>>) dst(%dma_wait3A_175 : memref<128x128xf32, #tpu.memory_space<vmem_shared>>)
      tpu.yield
    }) : () -> ()
    %add3A_17 = arith.constant 256 : i32
    %add3A_18 = arith.addi %mul3A_2, %add3A_17 : i32
    "tpu.region"() ({
      %run_scoped3A = tpu.sem_alloc : memref<!tpu.dma_semaphore, #tpu.memory_space<semaphore_mem>>
      %dma_start3A_159 = arith.constant 0 : i32
      %dma_start3A_160 = arith.constant 0 : i32
      %dma_start3A_161 = tpu.memref_slice %arg6[%dma_start3A_159, %dma_start3A_160] : memref<384x128xf32, #tpu.memory_space<vmem>> -> memref<128x128xf32, #tpu.memory_space<vmem>>
      %dma_start3A_162 = arith.constant 0 : i32
      %dma_start3A_163 = tpu.memref_slice %arg7[%add3A_18, %dma_start3A_162] : memref<10000x128xf32, #tpu.memory_space<vmem_shared>> -> memref<128x128xf32, #tpu.memory_space<vmem_shared>>
      %dma_start3A_164 = arith.constant 0 : i32
      %dma_start3A_165 = tpu.memref_slice %arg7[%add3A_18, %dma_start3A_164] : memref<10000x128xf32, #tpu.memory_space<vmem_shared>> -> memref<128x128xf32, #tpu.memory_space<vmem_shared>>
      %dma_start3A_166 = arith.constant 0 : i32
      %dma_start3A_167 = arith.constant 0 : i32
      %dma_start3A_168 = tpu.memref_slice %arg6[%dma_start3A_166, %dma_start3A_167] : memref<384x128xf32, #tpu.memory_space<vmem>> -> memref<128x128xf32, #tpu.memory_space<vmem>>
      tpu.enqueue_dma source(%dma_start3A_168 : memref<128x128xf32, #tpu.memory_space<vmem>>) target(%dma_start3A_165 : memref<128x128xf32, #tpu.memory_space<vmem_shared>>) target_semaphore(%run_scoped3A : memref<!tpu.dma_semaphore, #tpu.memory_space<semaphore_mem>>)
      %dma_wait3A_169 = arith.constant 0 : i32
      %dma_wait3A_170 = arith.constant 0 : i32
      %dma_wait3A_171 = tpu.memref_slice %arg6[%dma_wait3A_169, %dma_wait3A_170] : memref<384x128xf32, #tpu.memory_space<vmem>> -> memref<128x128xf32, #tpu.memory_space<vmem>>
      %dma_wait3A_172 = arith.constant 0 : i32
      %dma_wait3A_173 = tpu.memref_slice %arg7[%add3A_18, %dma_wait3A_172] : memref<10000x128xf32, #tpu.memory_space<vmem_shared>> -> memref<128x128xf32, #tpu.memory_space<vmem_shared>>
      %dma_wait3A_174 = arith.constant 0 : i32
      %dma_wait3A_175 = tpu.memref_slice %arg7[%add3A_18, %dma_wait3A_174] : memref<10000x128xf32, #tpu.memory_space<vmem_shared>> -> memref<128x128xf32, #tpu.memory_space<vmem_shared>>
      %dma_wait3A_176 = arith.constant 0 : i32
      %dma_wait3A_177 = arith.constant 0 : i32
      %dma_wait3A_178 = tpu.memref_slice %arg6[%dma_wait3A_176, %dma_wait3A_177] : memref<384x128xf32, #tpu.memory_space<vmem>> -> memref<128x128xf32, #tpu.memory_space<vmem>>
      tpu.wait_dma2 semaphore(%run_scoped3A : memref<!tpu.dma_semaphore, #tpu.memory_space<semaphore_mem>>) src(%dma_wait3A_178 : memref<128x128xf32, #tpu.memory_space<vmem>>) dst(%dma_wait3A_175 : memref<128x128xf32, #tpu.memory_space<vmem_shared>>)
      tpu.yield
    }) : () -> ()
    %add3A_19 = arith.constant 384 : i32
    %add3A_20 = arith.addi %mul3A_2, %add3A_19 : i32
    "tpu.region"() ({
      %run_scoped3A = tpu.sem_alloc : memref<!tpu.dma_semaphore, #tpu.memory_space<semaphore_mem>>
      %dma_start3A_159 = arith.constant 0 : i32
      %dma_start3A_160 = arith.constant 0 : i32
      %dma_start3A_161 = tpu.memref_slice %arg6[%dma_start3A_159, %dma_start3A_160] : memref<384x128xf32, #tpu.memory_space<vmem>> -> memref<128x128xf32, #tpu.memory_space<vmem>>
      %dma_start3A_162 = arith.constant 0 : i32
      %dma_start3A_163 = tpu.memref_slice %arg7[%add3A_20, %dma_start3A_162] : memref<10000x128xf32, #tpu.memory_space<vmem_shared>> -> memref<128x128xf32, #tpu.memory_space<vmem_shared>>
      %dma_start3A_164 = arith.constant 0 : i32
      %dma_start3A_165 = tpu.memref_slice %arg7[%add3A_20, %dma_start3A_164] : memref<10000x128xf32, #tpu.memory_space<vmem_shared>> -> memref<128x128xf32, #tpu.memory_space<vmem_shared>>
      %dma_start3A_166 = arith.constant 0 : i32
      %dma_start3A_167 = arith.constant 0 : i32
      %dma_start3A_168 = tpu.memref_slice %arg6[%dma_start3A_166, %dma_start3A_167] : memref<384x128xf32, #tpu.memory_space<vmem>> -> memref<128x128xf32, #tpu.memory_space<vmem>>
      tpu.enqueue_dma source(%dma_start3A_168 : memref<128x128xf32, #tpu.memory_space<vmem>>) target(%dma_start3A_165 : memref<128x128xf32, #tpu.memory_space<vmem_shared>>) target_semaphore(%run_scoped3A : memref<!tpu.dma_semaphore, #tpu.memory_space<semaphore_mem>>)
      %dma_wait3A_169 = arith.constant 0 : i32
      %dma_wait3A_170 = arith.constant 0 : i32
      %dma_wait3A_171 = tpu.memref_slice %arg6[%dma_wait3A_169, %dma_wait3A_170] : memref<384x128xf32, #tpu.memory_space<vmem>> -> memref<128x128xf32, #tpu.memory_space<vmem>>
      %dma_wait3A_172 = arith.constant 0 : i32
      %dma_wait3A_173 = tpu.memref_slice %arg7[%add3A_20, %dma_wait3A_172] : memref<10000x128xf32, #tpu.memory_space<vmem_shared>> -> memref<128x128xf32, #tpu.memory_space<vmem_shared>>
      %dma_wait3A_174 = arith.constant 0 : i32
      %dma_wait3A_175 = tpu.memref_slice %arg7[%add3A_20, %dma_wait3A_174] : memref<10000x128xf32, #tpu.memory_space<vmem_shared>> -> memref<128x128xf32, #tpu.memory_space<vmem_shared>>
      %dma_wait3A_176 = arith.constant 0 : i32
      %dma_wait3A_177 = arith.constant 0 : i32
      %dma_wait3A_178 = tpu.memref_slice %arg6[%dma_wait3A_176, %dma_wait3A_177] : memref<384x128xf32, #tpu.memory_space<vmem>> -> memref<128x128xf32, #tpu.memory_space<vmem>>
      tpu.wait_dma2 semaphore(%run_scoped3A : memref<!tpu.dma_semaphore, #tpu.memory_space<semaphore_mem>>) src(%dma_wait3A_178 : memref<128x128xf32, #tpu.memory_space<vmem>>) dst(%dma_wait3A_175 : memref<128x128xf32, #tpu.memory_space<vmem_shared>>)
      tpu.yield
    }) : () -> ()
    %add3A_21 = arith.constant 512 : i32
    %add3A_22 = arith.addi %mul3A_2, %add3A_21 : i32
    "tpu.region"() ({
      %run_scoped3A = tpu.sem_alloc : memref<!tpu.dma_semaphore, #tpu.memory_space<semaphore_mem>>
      %dma_start3A_159 = arith.constant 0 : i32
      %dma_start3A_160 = arith.constant 0 : i32
      %dma_start3A_161 = tpu.memref_slice %arg6[%dma_start3A_159, %dma_start3A_160] : memref<384x128xf32, #tpu.memory_space<vmem>> -> memref<112x128xf32, #tpu.memory_space<vmem>>
      %dma_start3A_162 = arith.constant 0 : i32
      %dma_start3A_163 = tpu.memref_slice %arg7[%add3A_22, %dma_start3A_162] : memref<10000x128xf32, #tpu.memory_space<vmem_shared>> -> memref<112x128xf32, #tpu.memory_space<vmem_shared>>
      %dma_start3A_164 = arith.constant 0 : i32
      %dma_start3A_165 = tpu.memref_slice %arg7[%add3A_22, %dma_start3A_164] : memref<10000x128xf32, #tpu.memory_space<vmem_shared>> -> memref<112x128xf32, #tpu.memory_space<vmem_shared>>
      %dma_start3A_166 = arith.constant 0 : i32
      %dma_start3A_167 = arith.constant 0 : i32
      %dma_start3A_168 = tpu.memref_slice %arg6[%dma_start3A_166, %dma_start3A_167] : memref<384x128xf32, #tpu.memory_space<vmem>> -> memref<112x128xf32, #tpu.memory_space<vmem>>
      tpu.enqueue_dma source(%dma_start3A_168 : memref<112x128xf32, #tpu.memory_space<vmem>>) target(%dma_start3A_165 : memref<112x128xf32, #tpu.memory_space<vmem_shared>>) target_semaphore(%run_scoped3A : memref<!tpu.dma_semaphore, #tpu.memory_space<semaphore_mem>>)
      %dma_wait3A_169 = arith.constant 0 : i32
      %dma_wait3A_170 = arith.constant 0 : i32
      %dma_wait3A_171 = tpu.memref_slice %arg6[%dma_wait3A_169, %dma_wait3A_170] : memref<384x128xf32, #tpu.memory_space<vmem>> -> memref<112x128xf32, #tpu.memory_space<vmem>>
      %dma_wait3A_172 = arith.constant 0 : i32
      %dma_wait3A_173 = tpu.memref_slice %arg7[%add3A_22, %dma_wait3A_172] : memref<10000x128xf32, #tpu.memory_space<vmem_shared>> -> memref<112x128xf32, #tpu.memory_space<vmem_shared>>
      %dma_wait3A_174 = arith.constant 0 : i32
      %dma_wait3A_175 = tpu.memref_slice %arg7[%add3A_22, %dma_wait3A_174] : memref<10000x128xf32, #tpu.memory_space<vmem_shared>> -> memref<112x128xf32, #tpu.memory_space<vmem_shared>>
      %dma_wait3A_176 = arith.constant 0 : i32
      %dma_wait3A_177 = arith.constant 0 : i32
      %dma_wait3A_178 = tpu.memref_slice %arg6[%dma_wait3A_176, %dma_wait3A_177] : memref<384x128xf32, #tpu.memory_space<vmem>> -> memref<112x128xf32, #tpu.memory_space<vmem>>
      tpu.wait_dma2 semaphore(%run_scoped3A : memref<!tpu.dma_semaphore, #tpu.memory_space<semaphore_mem>>) src(%dma_wait3A_178 : memref<112x128xf32, #tpu.memory_space<vmem>>) dst(%dma_wait3A_175 : memref<112x128xf32, #tpu.memory_space<vmem_shared>>)
      tpu.yield
    }) : () -> ()
    %eq3A = arith.constant 15 : i32
    %eq3A_23 = arith.cmpi eq, %arg1, %eq3A : i32
    %convert_element_type3A = arith.extui %eq3A_23 : i1 to i32
    %cond3A = arith.constant 0 : i32
    %cond3A_24 = arith.cmpi ne, %convert_element_type3A, %cond3A : i32
    scf.if %cond3A_24 {
      "tpu.region"() ({
        %run_scoped3A = tpu.sem_alloc : memref<!tpu.dma_semaphore, #tpu.memory_space<semaphore_mem>>
        %dma_start3A_159 = arith.constant 0 : i32
        %dma_start3A_160 = arith.constant 0 : i32
        %dma_start3A_161 = tpu.memref_slice %arg6[%dma_start3A_159, %dma_start3A_160] : memref<384x128xf32, #tpu.memory_space<vmem>> -> memref<16x128xf32, #tpu.memory_space<vmem>>
        %dma_start3A_162 = arith.constant 9984 : i32
        %dma_start3A_163 = arith.constant 0 : i32
        %dma_start3A_164 = tpu.memref_slice %arg7[%dma_start3A_162, %dma_start3A_163] : memref<10000x128xf32, #tpu.memory_space<vmem_shared>> -> memref<16x128xf32, #tpu.memory_space<vmem_shared>>
        %dma_start3A_165 = arith.constant 9984 : i32
        %dma_start3A_166 = arith.constant 0 : i32
        %dma_start3A_167 = tpu.memref_slice %arg7[%dma_start3A_165, %dma_start3A_166] : memref<10000x128xf32, #tpu.memory_space<vmem_shared>> -> memref<16x128xf32, #tpu.memory_space<vmem_shared>>
        %dma_start3A_168 = arith.constant 0 : i32
        %dma_start3A_169 = arith.constant 0 : i32
        %dma_start3A_170 = tpu.memref_slice %arg6[%dma_start3A_168, %dma_start3A_169] : memref<384x128xf32, #tpu.memory_space<vmem>> -> memref<16x128xf32, #tpu.memory_space<vmem>>
        tpu.enqueue_dma source(%dma_start3A_170 : memref<16x128xf32, #tpu.memory_space<vmem>>) target(%dma_start3A_167 : memref<16x128xf32, #tpu.memory_space<vmem_shared>>) target_semaphore(%run_scoped3A : memref<!tpu.dma_semaphore, #tpu.memory_space<semaphore_mem>>)
        %dma_wait3A_171 = arith.constant 0 : i32
        %dma_wait3A_172 = arith.constant 0 : i32
        %dma_wait3A_173 = tpu.memref_slice %arg6[%dma_wait3A_171, %dma_wait3A_172] : memref<384x128xf32, #tpu.memory_space<vmem>> -> memref<16x128xf32, #tpu.memory_space<vmem>>
        %dma_wait3A_174 = arith.constant 9984 : i32
        %dma_wait3A_175 = arith.constant 0 : i32
        %dma_wait3A_176 = tpu.memref_slice %arg7[%dma_wait3A_174, %dma_wait3A_175] : memref<10000x128xf32, #tpu.memory_space<vmem_shared>> -> memref<16x128xf32, #tpu.memory_space<vmem_shared>>
        %dma_wait3A_177 = arith.constant 9984 : i32
        %dma_wait3A_178 = arith.constant 0 : i32
        %dma_wait3A_179 = tpu.memref_slice %arg7[%dma_wait3A_177, %dma_wait3A_178] : memref<10000x128xf32, #tpu.memory_space<vmem_shared>> -> memref<16x128xf32, #tpu.memory_space<vmem_shared>>
        %dma_wait3A_180 = arith.constant 0 : i32
        %dma_wait3A_181 = arith.constant 0 : i32
        %dma_wait3A_182 = tpu.memref_slice %arg6[%dma_wait3A_180, %dma_wait3A_181] : memref<384x128xf32, #tpu.memory_space<vmem>> -> memref<16x128xf32, #tpu.memory_space<vmem>>
        tpu.wait_dma2 semaphore(%run_scoped3A : memref<!tpu.dma_semaphore, #tpu.memory_space<semaphore_mem>>) src(%dma_wait3A_182 : memref<16x128xf32, #tpu.memory_space<vmem>>) dst(%dma_wait3A_179 : memref<16x128xf32, #tpu.memory_space<vmem_shared>>)
        tpu.yield
      }) : () -> ()
    } else {
    }
    %barrier3A = arith.constant 0 : index
    tpu.barrier barrier_id(%barrier3A)
    %add3A_25 = arith.constant 0 : i32
    %add3A_26 = arith.addi %mul3A_4, %add3A_25 : i32
    %mul3A_27 = arith.constant 128 : i32
    %mul3A_28 = arith.muli %add3A_26, %mul3A_27 : i32
    %dma_start3A = arith.constant 0 : i32
    %dma_start3A_29 = arith.constant 0 : i32
    %dma_start3A_30 = tpu.memref_slice %arg6[%dma_start3A, %dma_start3A_29] : memref<384x128xf32, #tpu.memory_space<vmem>> -> memref<128x128xf32, #tpu.memory_space<vmem>>
    %dma_start3A_31 = tpu.memref_slice %arg2[%mul3A_28, %mul3A_0] : memref<160000x256xf32, #tpu.memory_space<hbm>> -> memref<128x128xf32, #tpu.memory_space<hbm>>
    %dma_start3A_32 = arith.constant 0 : i32
    %dma_start3A_33 = arith.constant 0 : i32
    %dma_start3A_34 = tpu.memref_slice %arg6[%dma_start3A_32, %dma_start3A_33] : memref<384x128xf32, #tpu.memory_space<vmem>> -> memref<128x128xf32, #tpu.memory_space<vmem>>
    %dma_start3A_35 = tpu.memref_slice %arg2[%mul3A_28, %mul3A_0] : memref<160000x256xf32, #tpu.memory_space<hbm>> -> memref<128x128xf32, #tpu.memory_space<hbm>>
    tpu.enqueue_dma source(%dma_start3A_35 : memref<128x128xf32, #tpu.memory_space<hbm>>) target(%dma_start3A_34 : memref<128x128xf32, #tpu.memory_space<vmem>>) target_semaphore(%arg8 : memref<!tpu.dma_semaphore, #tpu.memory_space<semaphore_mem>>)
    %dma_start3A_36 = arith.constant 0 : i32
    %dma_start3A_37 = arith.constant 0 : i32
    %dma_start3A_38 = tpu.memref_slice %arg5[%dma_start3A_36, %dma_start3A_37] : memref<3x128xi32, #tpu.memory_space<vmem>> -> memref<1x128xi32, #tpu.memory_space<vmem>>
    %dma_start3A_39 = tpu.memref_squeeze %dma_start3A_38 : memref<1x128xi32, #tpu.memory_space<vmem>> -> memref<128xi32, #tpu.memory_space<vmem>>
    %dma_start3A_40 = tpu.memref_slice %arg3[%mul3A_28] : memref<160000xi32, #tpu.memory_space<hbm>> -> memref<128xi32, #tpu.memory_space<hbm>>
    %dma_start3A_41 = arith.constant 0 : i32
    %dma_start3A_42 = tpu.memref_slice %arg5[%dma_start3A_36, %dma_start3A_41] : memref<3x128xi32, #tpu.memory_space<vmem>> -> memref<1x128xi32, #tpu.memory_space<vmem>>
    %dma_start3A_43 = tpu.memref_squeeze %dma_start3A_42 : memref<1x128xi32, #tpu.memory_space<vmem>> -> memref<128xi32, #tpu.memory_space<vmem>>
    %dma_start3A_44 = tpu.memref_slice %arg3[%mul3A_28] : memref<160000xi32, #tpu.memory_space<hbm>> -> memref<128xi32, #tpu.memory_space<hbm>>
    tpu.enqueue_dma source(%dma_start3A_44 : memref<128xi32, #tpu.memory_space<hbm>>) target(%dma_start3A_43 : memref<128xi32, #tpu.memory_space<vmem>>) target_semaphore(%arg8 : memref<!tpu.dma_semaphore, #tpu.memory_space<semaphore_mem>>)
    %add3A_45 = arith.constant 1 : i32
    %add3A_46 = arith.addi %mul3A_4, %add3A_45 : i32
    %mul3A_47 = arith.constant 128 : i32
    %mul3A_48 = arith.muli %add3A_46, %mul3A_47 : i32
    %dma_start3A_49 = arith.constant 128 : i32
    %dma_start3A_50 = arith.constant 0 : i32
    %dma_start3A_51 = tpu.memref_slice %arg6[%dma_start3A_49, %dma_start3A_50] : memref<384x128xf32, #tpu.memory_space<vmem>> -> memref<128x128xf32, #tpu.memory_space<vmem>>
    %dma_start3A_52 = tpu.memref_slice %arg2[%mul3A_48, %mul3A_0] : memref<160000x256xf32, #tpu.memory_space<hbm>> -> memref<128x128xf32, #tpu.memory_space<hbm>>
    %dma_start3A_53 = arith.constant 128 : i32
    %dma_start3A_54 = arith.constant 0 : i32
    %dma_start3A_55 = tpu.memref_slice %arg6[%dma_start3A_53, %dma_start3A_54] : memref<384x128xf32, #tpu.memory_space<vmem>> -> memref<128x128xf32, #tpu.memory_space<vmem>>
    %dma_start3A_56 = tpu.memref_slice %arg2[%mul3A_48, %mul3A_0] : memref<160000x256xf32, #tpu.memory_space<hbm>> -> memref<128x128xf32, #tpu.memory_space<hbm>>
    tpu.enqueue_dma source(%dma_start3A_56 : memref<128x128xf32, #tpu.memory_space<hbm>>) target(%dma_start3A_55 : memref<128x128xf32, #tpu.memory_space<vmem>>) target_semaphore(%arg9 : memref<!tpu.dma_semaphore, #tpu.memory_space<semaphore_mem>>)
    %dma_start3A_57 = arith.constant 1 : i32
    %dma_start3A_58 = arith.constant 0 : i32
    %dma_start3A_59 = tpu.memref_slice %arg5[%dma_start3A_57, %dma_start3A_58] : memref<3x128xi32, #tpu.memory_space<vmem>> -> memref<1x128xi32, #tpu.memory_space<vmem>>
    %dma_start3A_60 = tpu.memref_squeeze %dma_start3A_59 : memref<1x128xi32, #tpu.memory_space<vmem>> -> memref<128xi32, #tpu.memory_space<vmem>>
    %dma_start3A_61 = tpu.memref_slice %arg3[%mul3A_48] : memref<160000xi32, #tpu.memory_space<hbm>> -> memref<128xi32, #tpu.memory_space<hbm>>
    %dma_start3A_62 = arith.constant 0 : i32
    %dma_start3A_63 = tpu.memref_slice %arg5[%dma_start3A_57, %dma_start3A_62] : memref<3x128xi32, #tpu.memory_space<vmem>> -> memref<1x128xi32, #tpu.memory_space<vmem>>
    %dma_start3A_64 = tpu.memref_squeeze %dma_start3A_63 : memref<1x128xi32, #tpu.memory_space<vmem>> -> memref<128xi32, #tpu.memory_space<vmem>>
    %dma_start3A_65 = tpu.memref_slice %arg3[%mul3A_48] : memref<160000xi32, #tpu.memory_space<hbm>> -> memref<128xi32, #tpu.memory_space<hbm>>
    tpu.enqueue_dma source(%dma_start3A_65 : memref<128xi32, #tpu.memory_space<hbm>>) target(%dma_start3A_64 : memref<128xi32, #tpu.memory_space<vmem>>) target_semaphore(%arg9 : memref<!tpu.dma_semaphore, #tpu.memory_space<semaphore_mem>>)
    %add3A_66 = arith.constant 2 : i32
    %add3A_67 = arith.addi %mul3A_4, %add3A_66 : i32
    %mul3A_68 = arith.constant 128 : i32
    %mul3A_69 = arith.muli %add3A_67, %mul3A_68 : i32
    %dma_start3A_70 = arith.constant 256 : i32
    %dma_start3A_71 = arith.constant 0 : i32
    %dma_start3A_72 = tpu.memref_slice %arg6[%dma_start3A_70, %dma_start3A_71] : memref<384x128xf32, #tpu.memory_space<vmem>> -> memref<128x128xf32, #tpu.memory_space<vmem>>
    %dma_start3A_73 = tpu.memref_slice %arg2[%mul3A_69, %mul3A_0] : memref<160000x256xf32, #tpu.memory_space<hbm>> -> memref<128x128xf32, #tpu.memory_space<hbm>>
    %dma_start3A_74 = arith.constant 256 : i32
    %dma_start3A_75 = arith.constant 0 : i32
    %dma_start3A_76 = tpu.memref_slice %arg6[%dma_start3A_74, %dma_start3A_75] : memref<384x128xf32, #tpu.memory_space<vmem>> -> memref<128x128xf32, #tpu.memory_space<vmem>>
    %dma_start3A_77 = tpu.memref_slice %arg2[%mul3A_69, %mul3A_0] : memref<160000x256xf32, #tpu.memory_space<hbm>> -> memref<128x128xf32, #tpu.memory_space<hbm>>
    tpu.enqueue_dma source(%dma_start3A_77 : memref<128x128xf32, #tpu.memory_space<hbm>>) target(%dma_start3A_76 : memref<128x128xf32, #tpu.memory_space<vmem>>) target_semaphore(%arg10 : memref<!tpu.dma_semaphore, #tpu.memory_space<semaphore_mem>>)
    %dma_start3A_78 = arith.constant 2 : i32
    %dma_start3A_79 = arith.constant 0 : i32
    %dma_start3A_80 = tpu.memref_slice %arg5[%dma_start3A_78, %dma_start3A_79] : memref<3x128xi32, #tpu.memory_space<vmem>> -> memref<1x128xi32, #tpu.memory_space<vmem>>
    %dma_start3A_81 = tpu.memref_squeeze %dma_start3A_80 : memref<1x128xi32, #tpu.memory_space<vmem>> -> memref<128xi32, #tpu.memory_space<vmem>>
    %dma_start3A_82 = tpu.memref_slice %arg3[%mul3A_69] : memref<160000xi32, #tpu.memory_space<hbm>> -> memref<128xi32, #tpu.memory_space<hbm>>
    %dma_start3A_83 = arith.constant 0 : i32
    %dma_start3A_84 = tpu.memref_slice %arg5[%dma_start3A_78, %dma_start3A_83] : memref<3x128xi32, #tpu.memory_space<vmem>> -> memref<1x128xi32, #tpu.memory_space<vmem>>
    %dma_start3A_85 = tpu.memref_squeeze %dma_start3A_84 : memref<1x128xi32, #tpu.memory_space<vmem>> -> memref<128xi32, #tpu.memory_space<vmem>>
    %dma_start3A_86 = tpu.memref_slice %arg3[%mul3A_69] : memref<160000xi32, #tpu.memory_space<hbm>> -> memref<128xi32, #tpu.memory_space<hbm>>
    tpu.enqueue_dma source(%dma_start3A_86 : memref<128xi32, #tpu.memory_space<hbm>>) target(%dma_start3A_85 : memref<128xi32, #tpu.memory_space<vmem>>) target_semaphore(%arg10 : memref<!tpu.dma_semaphore, #tpu.memory_space<semaphore_mem>>)
    %scan3A_87 = arith.constant 0 : i32
    %scan3A_88 = arith.constant 0 : i32
    %scan3A_89 = arith.constant 26 : i32
    %scan3A_90 = arith.addi %scan3A_88, %scan3A_89 : i32
    %scan3A_91 = arith.constant 1 : i32
    scf.for %scan3A_159 = %scan3A_88 to %scan3A_90 step %scan3A_91  : i32 {
      %mul3A_160 = arith.constant 3 : i32
      %mul3A_161 = arith.muli %scan3A_159, %mul3A_160 : i32
      %add3A_162 = arith.addi %mul3A_4, %mul3A_161 : i32
      %add3A_163 = arith.constant 0 : i32
      %add3A_164 = arith.addi %add3A_162, %add3A_163 : i32
      %mul3A_165 = arith.constant 128 : i32
      %mul3A_166 = arith.muli %add3A_164, %mul3A_165 : i32
      %dma_wait3A_167 = arith.constant 0 : i32
      %dma_wait3A_168 = arith.constant 0 : i32
      %dma_wait3A_169 = tpu.memref_slice %arg6[%dma_wait3A_167, %dma_wait3A_168] : memref<384x128xf32, #tpu.memory_space<vmem>> -> memref<128x128xf32, #tpu.memory_space<vmem>>
      %dma_wait3A_170 = tpu.memref_slice %arg2[%mul3A_166, %mul3A_0] : memref<160000x256xf32, #tpu.memory_space<hbm>> -> memref<128x128xf32, #tpu.memory_space<hbm>>
      %dma_wait3A_171 = arith.constant 0 : i32
      %dma_wait3A_172 = arith.constant 0 : i32
      %dma_wait3A_173 = tpu.memref_slice %arg6[%dma_wait3A_171, %dma_wait3A_172] : memref<384x128xf32, #tpu.memory_space<vmem>> -> memref<128x128xf32, #tpu.memory_space<vmem>>
      %dma_wait3A_174 = tpu.memref_slice %arg2[%mul3A_166, %mul3A_0] : memref<160000x256xf32, #tpu.memory_space<hbm>> -> memref<128x128xf32, #tpu.memory_space<hbm>>
      tpu.wait_dma2 semaphore(%arg8 : memref<!tpu.dma_semaphore, #tpu.memory_space<semaphore_mem>>) src(%dma_wait3A_174 : memref<128x128xf32, #tpu.memory_space<hbm>>) dst(%dma_wait3A_173 : memref<128x128xf32, #tpu.memory_space<vmem>>)
      %dma_wait3A_175 = arith.constant 0 : i32
      %dma_wait3A_176 = arith.constant 0 : i32
      %dma_wait3A_177 = tpu.memref_slice %arg5[%dma_wait3A_175, %dma_wait3A_176] : memref<3x128xi32, #tpu.memory_space<vmem>> -> memref<1x128xi32, #tpu.memory_space<vmem>>
      %dma_wait3A_178 = tpu.memref_squeeze %dma_wait3A_177 : memref<1x128xi32, #tpu.memory_space<vmem>> -> memref<128xi32, #tpu.memory_space<vmem>>
      %dma_wait3A_179 = tpu.memref_slice %arg3[%mul3A_166] : memref<160000xi32, #tpu.memory_space<hbm>> -> memref<128xi32, #tpu.memory_space<hbm>>
      %dma_wait3A_180 = arith.constant 0 : i32
      %dma_wait3A_181 = tpu.memref_slice %arg5[%dma_wait3A_175, %dma_wait3A_180] : memref<3x128xi32, #tpu.memory_space<vmem>> -> memref<1x128xi32, #tpu.memory_space<vmem>>
      %dma_wait3A_182 = tpu.memref_squeeze %dma_wait3A_181 : memref<1x128xi32, #tpu.memory_space<vmem>> -> memref<128xi32, #tpu.memory_space<vmem>>
      %dma_wait3A_183 = tpu.memref_slice %arg3[%mul3A_166] : memref<160000xi32, #tpu.memory_space<hbm>> -> memref<128xi32, #tpu.memory_space<hbm>>
      tpu.wait_dma2 semaphore(%arg8 : memref<!tpu.dma_semaphore, #tpu.memory_space<semaphore_mem>>) src(%dma_wait3A_183 : memref<128xi32, #tpu.memory_space<hbm>>) dst(%dma_wait3A_182 : memref<128xi32, #tpu.memory_space<vmem>>)
      %run_scoped3A = arith.constant 0 : i32
      "tpu.region"() ({
        %run_scoped3A_299 = tpu.sem_alloc : memref<!tpu.dma_semaphore, #tpu.memory_space<semaphore_mem>>
        %dma_start3A_300 = arith.constant 0 : i32
        %dma_start3A_301 = arith.constant 0 : i32
        %dma_start3A_302 = tpu.memref_slice %arg6[%dma_start3A_300, %dma_start3A_301] : memref<384x128xf32, #tpu.memory_space<vmem>> -> memref<128x128xf32, #tpu.memory_space<vmem>>
        %dma_start3A_303 = arith.constant 0 : i32
        %dma_start3A_304 = tpu.memref_slice %arg5[%run_scoped3A, %dma_start3A_303] : memref<3x128xi32, #tpu.memory_space<vmem>> -> memref<1x128xi32, #tpu.memory_space<vmem>>
        %dma_start3A_305 = tpu.memref_squeeze %dma_start3A_304 : memref<1x128xi32, #tpu.memory_space<vmem>> -> memref<128xi32, #tpu.memory_space<vmem>>
        %dma_start3A_306 = arith.constant 0 : i32
        %dma_start3A_307 = arith.constant 0 : i32
        %dma_start3A_308 = tpu.memref_slice %arg7[%dma_start3A_306, %dma_start3A_307] : memref<10000x128xf32, #tpu.memory_space<vmem_shared>> -> memref<10000x128xf32, #tpu.memory_space<vmem_shared>>
        tpu.enqueue_indirect_dma source(%dma_start3A_302 : memref<128x128xf32, #tpu.memory_space<vmem>>) target(%dma_start3A_308 : memref<10000x128xf32, #tpu.memory_space<vmem_shared>>) offsets(%dma_start3A_305 : memref<128xi32, #tpu.memory_space<vmem>>) semaphore(%run_scoped3A_299 : memref<!tpu.dma_semaphore, #tpu.memory_space<semaphore_mem>>) {add = true}
        %dma_wait3A_309 = arith.constant 0 : i32
        %dma_wait3A_310 = arith.constant 0 : i32
        %dma_wait3A_311 = tpu.memref_slice %arg6[%dma_wait3A_309, %dma_wait3A_310] : memref<384x128xf32, #tpu.memory_space<vmem>> -> memref<128x128xf32, #tpu.memory_space<vmem>>
        %dma_wait3A_312 = arith.constant 0 : i32
        %dma_wait3A_313 = tpu.memref_slice %arg5[%run_scoped3A, %dma_wait3A_312] : memref<3x128xi32, #tpu.memory_space<vmem>> -> memref<1x128xi32, #tpu.memory_space<vmem>>
        %dma_wait3A_314 = tpu.memref_squeeze %dma_wait3A_313 : memref<1x128xi32, #tpu.memory_space<vmem>> -> memref<128xi32, #tpu.memory_space<vmem>>
        %dma_wait3A_315 = arith.constant 0 : i32
        %dma_wait3A_316 = arith.constant 0 : i32
        %dma_wait3A_317 = tpu.memref_slice %arg7[%dma_wait3A_315, %dma_wait3A_316] : memref<10000x128xf32, #tpu.memory_space<vmem_shared>> -> memref<10000x128xf32, #tpu.memory_space<vmem_shared>>
        tpu.wait_indirect_dma semaphore(%run_scoped3A_299 : memref<!tpu.dma_semaphore, #tpu.memory_space<semaphore_mem>>) src(%dma_wait3A_311 : memref<128x128xf32, #tpu.memory_space<vmem>>) dst(%dma_wait3A_317 : memref<10000x128xf32, #tpu.memory_space<vmem_shared>>)
        tpu.yield
      }) : () -> ()
      %add3A_184 = arith.constant 3 : i32
      %add3A_185 = arith.addi %add3A_164, %add3A_184 : i32
      %min3A = arith.minsi %add3A_185, %sub3A_6 : i32
      %mul3A_186 = arith.constant 128 : i32
      %mul3A_187 = arith.muli %min3A, %mul3A_186 : i32
      %dma_start3A_188 = arith.constant 0 : i32
      %dma_start3A_189 = arith.constant 0 : i32
      %dma_start3A_190 = tpu.memref_slice %arg6[%dma_start3A_188, %dma_start3A_189] : memref<384x128xf32, #tpu.memory_space<vmem>> -> memref<128x128xf32, #tpu.memory_space<vmem>>
      %dma_start3A_191 = tpu.memref_slice %arg2[%mul3A_187, %mul3A_0] : memref<160000x256xf32, #tpu.memory_space<hbm>> -> memref<128x128xf32, #tpu.memory_space<hbm>>
      %dma_start3A_192 = arith.constant 0 : i32
      %dma_start3A_193 = arith.constant 0 : i32
      %dma_start3A_194 = tpu.memref_slice %arg6[%dma_start3A_192, %dma_start3A_193] : memref<384x128xf32, #tpu.memory_space<vmem>> -> memref<128x128xf32, #tpu.memory_space<vmem>>
      %dma_start3A_195 = tpu.memref_slice %arg2[%mul3A_187, %mul3A_0] : memref<160000x256xf32, #tpu.memory_space<hbm>> -> memref<128x128xf32, #tpu.memory_space<hbm>>
      tpu.enqueue_dma source(%dma_start3A_195 : memref<128x128xf32, #tpu.memory_space<hbm>>) target(%dma_start3A_194 : memref<128x128xf32, #tpu.memory_space<vmem>>) target_semaphore(%arg8 : memref<!tpu.dma_semaphore, #tpu.memory_space<semaphore_mem>>)
      %dma_start3A_196 = arith.constant 0 : i32
      %dma_start3A_197 = arith.constant 0 : i32
      %dma_start3A_198 = tpu.memref_slice %arg5[%dma_start3A_196, %dma_start3A_197] : memref<3x128xi32, #tpu.memory_space<vmem>> -> memref<1x128xi32, #tpu.memory_space<vmem>>
      %dma_start3A_199 = tpu.memref_squeeze %dma_start3A_198 : memref<1x128xi32, #tpu.memory_space<vmem>> -> memref<128xi32, #tpu.memory_space<vmem>>
      %dma_start3A_200 = tpu.memref_slice %arg3[%mul3A_187] : memref<160000xi32, #tpu.memory_space<hbm>> -> memref<128xi32, #tpu.memory_space<hbm>>
      %dma_start3A_201 = arith.constant 0 : i32
      %dma_start3A_202 = tpu.memref_slice %arg5[%dma_start3A_196, %dma_start3A_201] : memref<3x128xi32, #tpu.memory_space<vmem>> -> memref<1x128xi32, #tpu.memory_space<vmem>>
      %dma_start3A_203 = tpu.memref_squeeze %dma_start3A_202 : memref<1x128xi32, #tpu.memory_space<vmem>> -> memref<128xi32, #tpu.memory_space<vmem>>
      %dma_start3A_204 = tpu.memref_slice %arg3[%mul3A_187] : memref<160000xi32, #tpu.memory_space<hbm>> -> memref<128xi32, #tpu.memory_space<hbm>>
      tpu.enqueue_dma source(%dma_start3A_204 : memref<128xi32, #tpu.memory_space<hbm>>) target(%dma_start3A_203 : memref<128xi32, #tpu.memory_space<vmem>>) target_semaphore(%arg8 : memref<!tpu.dma_semaphore, #tpu.memory_space<semaphore_mem>>)
      %mul3A_205 = arith.constant 3 : i32
      %mul3A_206 = arith.muli %scan3A_159, %mul3A_205 : i32
      %add3A_207 = arith.addi %mul3A_4, %mul3A_206 : i32
      %add3A_208 = arith.constant 1 : i32
      %add3A_209 = arith.addi %add3A_207, %add3A_208 : i32
      %mul3A_210 = arith.constant 128 : i32
      %mul3A_211 = arith.muli %add3A_209, %mul3A_210 : i32
      %dma_wait3A_212 = arith.constant 128 : i32
      %dma_wait3A_213 = arith.constant 0 : i32
      %dma_wait3A_214 = tpu.memref_slice %arg6[%dma_wait3A_212, %dma_wait3A_213] : memref<384x128xf32, #tpu.memory_space<vmem>> -> memref<128x128xf32, #tpu.memory_space<vmem>>
      %dma_wait3A_215 = tpu.memref_slice %arg2[%mul3A_211, %mul3A_0] : memref<160000x256xf32, #tpu.memory_space<hbm>> -> memref<128x128xf32, #tpu.memory_space<hbm>>
      %dma_wait3A_216 = arith.constant 128 : i32
      %dma_wait3A_217 = arith.constant 0 : i32
      %dma_wait3A_218 = tpu.memref_slice %arg6[%dma_wait3A_216, %dma_wait3A_217] : memref<384x128xf32, #tpu.memory_space<vmem>> -> memref<128x128xf32, #tpu.memory_space<vmem>>
      %dma_wait3A_219 = tpu.memref_slice %arg2[%mul3A_211, %mul3A_0] : memref<160000x256xf32, #tpu.memory_space<hbm>> -> memref<128x128xf32, #tpu.memory_space<hbm>>
      tpu.wait_dma2 semaphore(%arg9 : memref<!tpu.dma_semaphore, #tpu.memory_space<semaphore_mem>>) src(%dma_wait3A_219 : memref<128x128xf32, #tpu.memory_space<hbm>>) dst(%dma_wait3A_218 : memref<128x128xf32, #tpu.memory_space<vmem>>)
      %dma_wait3A_220 = arith.constant 1 : i32
      %dma_wait3A_221 = arith.constant 0 : i32
      %dma_wait3A_222 = tpu.memref_slice %arg5[%dma_wait3A_220, %dma_wait3A_221] : memref<3x128xi32, #tpu.memory_space<vmem>> -> memref<1x128xi32, #tpu.memory_space<vmem>>
      %dma_wait3A_223 = tpu.memref_squeeze %dma_wait3A_222 : memref<1x128xi32, #tpu.memory_space<vmem>> -> memref<128xi32, #tpu.memory_space<vmem>>
      %dma_wait3A_224 = tpu.memref_slice %arg3[%mul3A_211] : memref<160000xi32, #tpu.memory_space<hbm>> -> memref<128xi32, #tpu.memory_space<hbm>>
      %dma_wait3A_225 = arith.constant 0 : i32
      %dma_wait3A_226 = tpu.memref_slice %arg5[%dma_wait3A_220, %dma_wait3A_225] : memref<3x128xi32, #tpu.memory_space<vmem>> -> memref<1x128xi32, #tpu.memory_space<vmem>>
      %dma_wait3A_227 = tpu.memref_squeeze %dma_wait3A_226 : memref<1x128xi32, #tpu.memory_space<vmem>> -> memref<128xi32, #tpu.memory_space<vmem>>
      %dma_wait3A_228 = tpu.memref_slice %arg3[%mul3A_211] : memref<160000xi32, #tpu.memory_space<hbm>> -> memref<128xi32, #tpu.memory_space<hbm>>
      tpu.wait_dma2 semaphore(%arg9 : memref<!tpu.dma_semaphore, #tpu.memory_space<semaphore_mem>>) src(%dma_wait3A_228 : memref<128xi32, #tpu.memory_space<hbm>>) dst(%dma_wait3A_227 : memref<128xi32, #tpu.memory_space<vmem>>)
      %run_scoped3A_229 = arith.constant 1 : i32
      "tpu.region"() ({
        %run_scoped3A_299 = tpu.sem_alloc : memref<!tpu.dma_semaphore, #tpu.memory_space<semaphore_mem>>
        %dma_start3A_300 = arith.constant 128 : i32
        %dma_start3A_301 = arith.constant 0 : i32
        %dma_start3A_302 = tpu.memref_slice %arg6[%dma_start3A_300, %dma_start3A_301] : memref<384x128xf32, #tpu.memory_space<vmem>> -> memref<128x128xf32, #tpu.memory_space<vmem>>
        %dma_start3A_303 = arith.constant 0 : i32
        %dma_start3A_304 = tpu.memref_slice %arg5[%run_scoped3A_229, %dma_start3A_303] : memref<3x128xi32, #tpu.memory_space<vmem>> -> memref<1x128xi32, #tpu.memory_space<vmem>>
        %dma_start3A_305 = tpu.memref_squeeze %dma_start3A_304 : memref<1x128xi32, #tpu.memory_space<vmem>> -> memref<128xi32, #tpu.memory_space<vmem>>
        %dma_start3A_306 = arith.constant 0 : i32
        %dma_start3A_307 = arith.constant 0 : i32
        %dma_start3A_308 = tpu.memref_slice %arg7[%dma_start3A_306, %dma_start3A_307] : memref<10000x128xf32, #tpu.memory_space<vmem_shared>> -> memref<10000x128xf32, #tpu.memory_space<vmem_shared>>
        tpu.enqueue_indirect_dma source(%dma_start3A_302 : memref<128x128xf32, #tpu.memory_space<vmem>>) target(%dma_start3A_308 : memref<10000x128xf32, #tpu.memory_space<vmem_shared>>) offsets(%dma_start3A_305 : memref<128xi32, #tpu.memory_space<vmem>>) semaphore(%run_scoped3A_299 : memref<!tpu.dma_semaphore, #tpu.memory_space<semaphore_mem>>) {add = true}
        %dma_wait3A_309 = arith.constant 128 : i32
        %dma_wait3A_310 = arith.constant 0 : i32
        %dma_wait3A_311 = tpu.memref_slice %arg6[%dma_wait3A_309, %dma_wait3A_310] : memref<384x128xf32, #tpu.memory_space<vmem>> -> memref<128x128xf32, #tpu.memory_space<vmem>>
        %dma_wait3A_312 = arith.constant 0 : i32
        %dma_wait3A_313 = tpu.memref_slice %arg5[%run_scoped3A_229, %dma_wait3A_312] : memref<3x128xi32, #tpu.memory_space<vmem>> -> memref<1x128xi32, #tpu.memory_space<vmem>>
        %dma_wait3A_314 = tpu.memref_squeeze %dma_wait3A_313 : memref<1x128xi32, #tpu.memory_space<vmem>> -> memref<128xi32, #tpu.memory_space<vmem>>
        %dma_wait3A_315 = arith.constant 0 : i32
        %dma_wait3A_316 = arith.constant 0 : i32
        %dma_wait3A_317 = tpu.memref_slice %arg7[%dma_wait3A_315, %dma_wait3A_316] : memref<10000x128xf32, #tpu.memory_space<vmem_shared>> -> memref<10000x128xf32, #tpu.memory_space<vmem_shared>>
        tpu.wait_indirect_dma semaphore(%run_scoped3A_299 : memref<!tpu.dma_semaphore, #tpu.memory_space<semaphore_mem>>) src(%dma_wait3A_311 : memref<128x128xf32, #tpu.memory_space<vmem>>) dst(%dma_wait3A_317 : memref<10000x128xf32, #tpu.memory_space<vmem_shared>>)
        tpu.yield
      }) : () -> ()
      %add3A_230 = arith.constant 3 : i32
      %add3A_231 = arith.addi %add3A_209, %add3A_230 : i32
      %min3A_232 = arith.minsi %add3A_231, %sub3A_6 : i32
      %mul3A_233 = arith.constant 128 : i32
      %mul3A_234 = arith.muli %min3A_232, %mul3A_233 : i32
      %dma_start3A_235 = arith.constant 128 : i32
      %dma_start3A_236 = arith.constant 0 : i32
      %dma_start3A_237 = tpu.memref_slice %arg6[%dma_start3A_235, %dma_start3A_236] : memref<384x128xf32, #tpu.memory_space<vmem>> -> memref<128x128xf32, #tpu.memory_space<vmem>>
      %dma_start3A_238 = tpu.memref_slice %arg2[%mul3A_234, %mul3A_0] : memref<160000x256xf32, #tpu.memory_space<hbm>> -> memref<128x128xf32, #tpu.memory_space<hbm>>
      %dma_start3A_239 = arith.constant 128 : i32
      %dma_start3A_240 = arith.constant 0 : i32
      %dma_start3A_241 = tpu.memref_slice %arg6[%dma_start3A_239, %dma_start3A_240] : memref<384x128xf32, #tpu.memory_space<vmem>> -> memref<128x128xf32, #tpu.memory_space<vmem>>
      %dma_start3A_242 = tpu.memref_slice %arg2[%mul3A_234, %mul3A_0] : memref<160000x256xf32, #tpu.memory_space<hbm>> -> memref<128x128xf32, #tpu.memory_space<hbm>>
      tpu.enqueue_dma source(%dma_start3A_242 : memref<128x128xf32, #tpu.memory_space<hbm>>) target(%dma_start3A_241 : memref<128x128xf32, #tpu.memory_space<vmem>>) target_semaphore(%arg9 : memref<!tpu.dma_semaphore, #tpu.memory_space<semaphore_mem>>)
      %dma_start3A_243 = arith.constant 1 : i32
      %dma_start3A_244 = arith.constant 0 : i32
      %dma_start3A_245 = tpu.memref_slice %arg5[%dma_start3A_243, %dma_start3A_244] : memref<3x128xi32, #tpu.memory_space<vmem>> -> memref<1x128xi32, #tpu.memory_space<vmem>>
      %dma_start3A_246 = tpu.memref_squeeze %dma_start3A_245 : memref<1x128xi32, #tpu.memory_space<vmem>> -> memref<128xi32, #tpu.memory_space<vmem>>
      %dma_start3A_247 = tpu.memref_slice %arg3[%mul3A_234] : memref<160000xi32, #tpu.memory_space<hbm>> -> memref<128xi32, #tpu.memory_space<hbm>>
      %dma_start3A_248 = arith.constant 0 : i32
      %dma_start3A_249 = tpu.memref_slice %arg5[%dma_start3A_243, %dma_start3A_248] : memref<3x128xi32, #tpu.memory_space<vmem>> -> memref<1x128xi32, #tpu.memory_space<vmem>>
      %dma_start3A_250 = tpu.memref_squeeze %dma_start3A_249 : memref<1x128xi32, #tpu.memory_space<vmem>> -> memref<128xi32, #tpu.memory_space<vmem>>
      %dma_start3A_251 = tpu.memref_slice %arg3[%mul3A_234] : memref<160000xi32, #tpu.memory_space<hbm>> -> memref<128xi32, #tpu.memory_space<hbm>>
      tpu.enqueue_dma source(%dma_start3A_251 : memref<128xi32, #tpu.memory_space<hbm>>) target(%dma_start3A_250 : memref<128xi32, #tpu.memory_space<vmem>>) target_semaphore(%arg9 : memref<!tpu.dma_semaphore, #tpu.memory_space<semaphore_mem>>)
      %mul3A_252 = arith.constant 3 : i32
      %mul3A_253 = arith.muli %scan3A_159, %mul3A_252 : i32
      %add3A_254 = arith.addi %mul3A_4, %mul3A_253 : i32
      %add3A_255 = arith.constant 2 : i32
      %add3A_256 = arith.addi %add3A_254, %add3A_255 : i32
      %mul3A_257 = arith.constant 128 : i32
      %mul3A_258 = arith.muli %add3A_256, %mul3A_257 : i32
      %dma_wait3A_259 = arith.constant 256 : i32
      %dma_wait3A_260 = arith.constant 0 : i32
      %dma_wait3A_261 = tpu.memref_slice %arg6[%dma_wait3A_259, %dma_wait3A_260] : memref<384x128xf32, #tpu.memory_space<vmem>> -> memref<128x128xf32, #tpu.memory_space<vmem>>
      %dma_wait3A_262 = tpu.memref_slice %arg2[%mul3A_258, %mul3A_0] : memref<160000x256xf32, #tpu.memory_space<hbm>> -> memref<128x128xf32, #tpu.memory_space<hbm>>
      %dma_wait3A_263 = arith.constant 256 : i32
      %dma_wait3A_264 = arith.constant 0 : i32
      %dma_wait3A_265 = tpu.memref_slice %arg6[%dma_wait3A_263, %dma_wait3A_264] : memref<384x128xf32, #tpu.memory_space<vmem>> -> memref<128x128xf32, #tpu.memory_space<vmem>>
      %dma_wait3A_266 = tpu.memref_slice %arg2[%mul3A_258, %mul3A_0] : memref<160000x256xf32, #tpu.memory_space<hbm>> -> memref<128x128xf32, #tpu.memory_space<hbm>>
      tpu.wait_dma2 semaphore(%arg10 : memref<!tpu.dma_semaphore, #tpu.memory_space<semaphore_mem>>) src(%dma_wait3A_266 : memref<128x128xf32, #tpu.memory_space<hbm>>) dst(%dma_wait3A_265 : memref<128x128xf32, #tpu.memory_space<vmem>>)
      %dma_wait3A_267 = arith.constant 2 : i32
      %dma_wait3A_268 = arith.constant 0 : i32
      %dma_wait3A_269 = tpu.memref_slice %arg5[%dma_wait3A_267, %dma_wait3A_268] : memref<3x128xi32, #tpu.memory_space<vmem>> -> memref<1x128xi32, #tpu.memory_space<vmem>>
      %dma_wait3A_270 = tpu.memref_squeeze %dma_wait3A_269 : memref<1x128xi32, #tpu.memory_space<vmem>> -> memref<128xi32, #tpu.memory_space<vmem>>
      %dma_wait3A_271 = tpu.memref_slice %arg3[%mul3A_258] : memref<160000xi32, #tpu.memory_space<hbm>> -> memref<128xi32, #tpu.memory_space<hbm>>
      %dma_wait3A_272 = arith.constant 0 : i32
      %dma_wait3A_273 = tpu.memref_slice %arg5[%dma_wait3A_267, %dma_wait3A_272] : memref<3x128xi32, #tpu.memory_space<vmem>> -> memref<1x128xi32, #tpu.memory_space<vmem>>
      %dma_wait3A_274 = tpu.memref_squeeze %dma_wait3A_273 : memref<1x128xi32, #tpu.memory_space<vmem>> -> memref<128xi32, #tpu.memory_space<vmem>>
      %dma_wait3A_275 = tpu.memref_slice %arg3[%mul3A_258] : memref<160000xi32, #tpu.memory_space<hbm>> -> memref<128xi32, #tpu.memory_space<hbm>>
      tpu.wait_dma2 semaphore(%arg10 : memref<!tpu.dma_semaphore, #tpu.memory_space<semaphore_mem>>) src(%dma_wait3A_275 : memref<128xi32, #tpu.memory_space<hbm>>) dst(%dma_wait3A_274 : memref<128xi32, #tpu.memory_space<vmem>>)
      %run_scoped3A_276 = arith.constant 2 : i32
      "tpu.region"() ({
        %run_scoped3A_299 = tpu.sem_alloc : memref<!tpu.dma_semaphore, #tpu.memory_space<semaphore_mem>>
        %dma_start3A_300 = arith.constant 256 : i32
        %dma_start3A_301 = arith.constant 0 : i32
        %dma_start3A_302 = tpu.memref_slice %arg6[%dma_start3A_300, %dma_start3A_301] : memref<384x128xf32, #tpu.memory_space<vmem>> -> memref<128x128xf32, #tpu.memory_space<vmem>>
        %dma_start3A_303 = arith.constant 0 : i32
        %dma_start3A_304 = tpu.memref_slice %arg5[%run_scoped3A_276, %dma_start3A_303] : memref<3x128xi32, #tpu.memory_space<vmem>> -> memref<1x128xi32, #tpu.memory_space<vmem>>
        %dma_start3A_305 = tpu.memref_squeeze %dma_start3A_304 : memref<1x128xi32, #tpu.memory_space<vmem>> -> memref<128xi32, #tpu.memory_space<vmem>>
        %dma_start3A_306 = arith.constant 0 : i32
        %dma_start3A_307 = arith.constant 0 : i32
        %dma_start3A_308 = tpu.memref_slice %arg7[%dma_start3A_306, %dma_start3A_307] : memref<10000x128xf32, #tpu.memory_space<vmem_shared>> -> memref<10000x128xf32, #tpu.memory_space<vmem_shared>>
        tpu.enqueue_indirect_dma source(%dma_start3A_302 : memref<128x128xf32, #tpu.memory_space<vmem>>) target(%dma_start3A_308 : memref<10000x128xf32, #tpu.memory_space<vmem_shared>>) offsets(%dma_start3A_305 : memref<128xi32, #tpu.memory_space<vmem>>) semaphore(%run_scoped3A_299 : memref<!tpu.dma_semaphore, #tpu.memory_space<semaphore_mem>>) {add = true}
        %dma_wait3A_309 = arith.constant 256 : i32
        %dma_wait3A_310 = arith.constant 0 : i32
        %dma_wait3A_311 = tpu.memref_slice %arg6[%dma_wait3A_309, %dma_wait3A_310] : memref<384x128xf32, #tpu.memory_space<vmem>> -> memref<128x128xf32, #tpu.memory_space<vmem>>
        %dma_wait3A_312 = arith.constant 0 : i32
        %dma_wait3A_313 = tpu.memref_slice %arg5[%run_scoped3A_276, %dma_wait3A_312] : memref<3x128xi32, #tpu.memory_space<vmem>> -> memref<1x128xi32, #tpu.memory_space<vmem>>
        %dma_wait3A_314 = tpu.memref_squeeze %dma_wait3A_313 : memref<1x128xi32, #tpu.memory_space<vmem>> -> memref<128xi32, #tpu.memory_space<vmem>>
        %dma_wait3A_315 = arith.constant 0 : i32
        %dma_wait3A_316 = arith.constant 0 : i32
        %dma_wait3A_317 = tpu.memref_slice %arg7[%dma_wait3A_315, %dma_wait3A_316] : memref<10000x128xf32, #tpu.memory_space<vmem_shared>> -> memref<10000x128xf32, #tpu.memory_space<vmem_shared>>
        tpu.wait_indirect_dma semaphore(%run_scoped3A_299 : memref<!tpu.dma_semaphore, #tpu.memory_space<semaphore_mem>>) src(%dma_wait3A_311 : memref<128x128xf32, #tpu.memory_space<vmem>>) dst(%dma_wait3A_317 : memref<10000x128xf32, #tpu.memory_space<vmem_shared>>)
        tpu.yield
      }) : () -> ()
      %add3A_277 = arith.constant 3 : i32
      %add3A_278 = arith.addi %add3A_256, %add3A_277 : i32
      %min3A_279 = arith.minsi %add3A_278, %sub3A_6 : i32
      %mul3A_280 = arith.constant 128 : i32
      %mul3A_281 = arith.muli %min3A_279, %mul3A_280 : i32
      %dma_start3A_282 = arith.constant 256 : i32
      %dma_start3A_283 = arith.constant 0 : i32
      %dma_start3A_284 = tpu.memref_slice %arg6[%dma_start3A_282, %dma_start3A_283] : memref<384x128xf32, #tpu.memory_space<vmem>> -> memref<128x128xf32, #tpu.memory_space<vmem>>
      %dma_start3A_285 = tpu.memref_slice %arg2[%mul3A_281, %mul3A_0] : memref<160000x256xf32, #tpu.memory_space<hbm>> -> memref<128x128xf32, #tpu.memory_space<hbm>>
      %dma_start3A_286 = arith.constant 256 : i32
      %dma_start3A_287 = arith.constant 0 : i32
      %dma_start3A_288 = tpu.memref_slice %arg6[%dma_start3A_286, %dma_start3A_287] : memref<384x128xf32, #tpu.memory_space<vmem>> -> memref<128x128xf32, #tpu.memory_space<vmem>>
      %dma_start3A_289 = tpu.memref_slice %arg2[%mul3A_281, %mul3A_0] : memref<160000x256xf32, #tpu.memory_space<hbm>> -> memref<128x128xf32, #tpu.memory_space<hbm>>
      tpu.enqueue_dma source(%dma_start3A_289 : memref<128x128xf32, #tpu.memory_space<hbm>>) target(%dma_start3A_288 : memref<128x128xf32, #tpu.memory_space<vmem>>) target_semaphore(%arg10 : memref<!tpu.dma_semaphore, #tpu.memory_space<semaphore_mem>>)
      %dma_start3A_290 = arith.constant 2 : i32
      %dma_start3A_291 = arith.constant 0 : i32
      %dma_start3A_292 = tpu.memref_slice %arg5[%dma_start3A_290, %dma_start3A_291] : memref<3x128xi32, #tpu.memory_space<vmem>> -> memref<1x128xi32, #tpu.memory_space<vmem>>
      %dma_start3A_293 = tpu.memref_squeeze %dma_start3A_292 : memref<1x128xi32, #tpu.memory_space<vmem>> -> memref<128xi32, #tpu.memory_space<vmem>>
      %dma_start3A_294 = tpu.memref_slice %arg3[%mul3A_281] : memref<160000xi32, #tpu.memory_space<hbm>> -> memref<128xi32, #tpu.memory_space<hbm>>
      %dma_start3A_295 = arith.constant 0 : i32
      %dma_start3A_296 = tpu.memref_slice %arg5[%dma_start3A_290, %dma_start3A_295] : memref<3x128xi32, #tpu.memory_space<vmem>> -> memref<1x128xi32, #tpu.memory_space<vmem>>
      %dma_start3A_297 = tpu.memref_squeeze %dma_start3A_296 : memref<1x128xi32, #tpu.memory_space<vmem>> -> memref<128xi32, #tpu.memory_space<vmem>>
      %dma_start3A_298 = tpu.memref_slice %arg3[%mul3A_281] : memref<160000xi32, #tpu.memory_space<hbm>> -> memref<128xi32, #tpu.memory_space<hbm>>
      tpu.enqueue_dma source(%dma_start3A_298 : memref<128xi32, #tpu.memory_space<hbm>>) target(%dma_start3A_297 : memref<128xi32, #tpu.memory_space<vmem>>) target_semaphore(%arg10 : memref<!tpu.dma_semaphore, #tpu.memory_space<semaphore_mem>>)
    }
    %scan3A_92 = arith.constant 26 : i32
    %mul3A_93 = arith.constant 128 : i32
    %mul3A_94 = arith.muli %sub3A_6, %mul3A_93 : i32
    %dma_wait3A = arith.constant 0 : i32
    %dma_wait3A_95 = arith.constant 0 : i32
    %dma_wait3A_96 = tpu.memref_slice %arg6[%dma_wait3A, %dma_wait3A_95] : memref<384x128xf32, #tpu.memory_space<vmem>> -> memref<128x128xf32, #tpu.memory_space<vmem>>
    %dma_wait3A_97 = tpu.memref_slice %arg2[%mul3A_94, %mul3A_0] : memref<160000x256xf32, #tpu.memory_space<hbm>> -> memref<128x128xf32, #tpu.memory_space<hbm>>
    %dma_wait3A_98 = arith.constant 0 : i32
    %dma_wait3A_99 = arith.constant 0 : i32
    %dma_wait3A_100 = tpu.memref_slice %arg6[%dma_wait3A_98, %dma_wait3A_99] : memref<384x128xf32, #tpu.memory_space<vmem>> -> memref<128x128xf32, #tpu.memory_space<vmem>>
    %dma_wait3A_101 = tpu.memref_slice %arg2[%mul3A_94, %mul3A_0] : memref<160000x256xf32, #tpu.memory_space<hbm>> -> memref<128x128xf32, #tpu.memory_space<hbm>>
    tpu.wait_dma2 semaphore(%arg8 : memref<!tpu.dma_semaphore, #tpu.memory_space<semaphore_mem>>) src(%dma_wait3A_101 : memref<128x128xf32, #tpu.memory_space<hbm>>) dst(%dma_wait3A_100 : memref<128x128xf32, #tpu.memory_space<vmem>>)
    %dma_wait3A_102 = arith.constant 0 : i32
    %dma_wait3A_103 = arith.constant 0 : i32
    %dma_wait3A_104 = tpu.memref_slice %arg5[%dma_wait3A_102, %dma_wait3A_103] : memref<3x128xi32, #tpu.memory_space<vmem>> -> memref<1x128xi32, #tpu.memory_space<vmem>>
    %dma_wait3A_105 = tpu.memref_squeeze %dma_wait3A_104 : memref<1x128xi32, #tpu.memory_space<vmem>> -> memref<128xi32, #tpu.memory_space<vmem>>
    %dma_wait3A_106 = tpu.memref_slice %arg3[%mul3A_94] : memref<160000xi32, #tpu.memory_space<hbm>> -> memref<128xi32, #tpu.memory_space<hbm>>
    %dma_wait3A_107 = arith.constant 0 : i32
    %dma_wait3A_108 = tpu.memref_slice %arg5[%dma_wait3A_102, %dma_wait3A_107] : memref<3x128xi32, #tpu.memory_space<vmem>> -> memref<1x128xi32, #tpu.memory_space<vmem>>
    %dma_wait3A_109 = tpu.memref_squeeze %dma_wait3A_108 : memref<1x128xi32, #tpu.memory_space<vmem>> -> memref<128xi32, #tpu.memory_space<vmem>>
    %dma_wait3A_110 = tpu.memref_slice %arg3[%mul3A_94] : memref<160000xi32, #tpu.memory_space<hbm>> -> memref<128xi32, #tpu.memory_space<hbm>>
    tpu.wait_dma2 semaphore(%arg8 : memref<!tpu.dma_semaphore, #tpu.memory_space<semaphore_mem>>) src(%dma_wait3A_110 : memref<128xi32, #tpu.memory_space<hbm>>) dst(%dma_wait3A_109 : memref<128xi32, #tpu.memory_space<vmem>>)
    %mul3A_111 = arith.constant 128 : i32
    %mul3A_112 = arith.muli %sub3A_6, %mul3A_111 : i32
    %dma_wait3A_113 = arith.constant 128 : i32
    %dma_wait3A_114 = arith.constant 0 : i32
    %dma_wait3A_115 = tpu.memref_slice %arg6[%dma_wait3A_113, %dma_wait3A_114] : memref<384x128xf32, #tpu.memory_space<vmem>> -> memref<128x128xf32, #tpu.memory_space<vmem>>
    %dma_wait3A_116 = tpu.memref_slice %arg2[%mul3A_112, %mul3A_0] : memref<160000x256xf32, #tpu.memory_space<hbm>> -> memref<128x128xf32, #tpu.memory_space<hbm>>
    %dma_wait3A_117 = arith.constant 128 : i32
    %dma_wait3A_118 = arith.constant 0 : i32
    %dma_wait3A_119 = tpu.memref_slice %arg6[%dma_wait3A_117, %dma_wait3A_118] : memref<384x128xf32, #tpu.memory_space<vmem>> -> memref<128x128xf32, #tpu.memory_space<vmem>>
    %dma_wait3A_120 = tpu.memref_slice %arg2[%mul3A_112, %mul3A_0] : memref<160000x256xf32, #tpu.memory_space<hbm>> -> memref<128x128xf32, #tpu.memory_space<hbm>>
    tpu.wait_dma2 semaphore(%arg9 : memref<!tpu.dma_semaphore, #tpu.memory_space<semaphore_mem>>) src(%dma_wait3A_120 : memref<128x128xf32, #tpu.memory_space<hbm>>) dst(%dma_wait3A_119 : memref<128x128xf32, #tpu.memory_space<vmem>>)
    %dma_wait3A_121 = arith.constant 1 : i32
    %dma_wait3A_122 = arith.constant 0 : i32
    %dma_wait3A_123 = tpu.memref_slice %arg5[%dma_wait3A_121, %dma_wait3A_122] : memref<3x128xi32, #tpu.memory_space<vmem>> -> memref<1x128xi32, #tpu.memory_space<vmem>>
    %dma_wait3A_124 = tpu.memref_squeeze %dma_wait3A_123 : memref<1x128xi32, #tpu.memory_space<vmem>> -> memref<128xi32, #tpu.memory_space<vmem>>
    %dma_wait3A_125 = tpu.memref_slice %arg3[%mul3A_112] : memref<160000xi32, #tpu.memory_space<hbm>> -> memref<128xi32, #tpu.memory_space<hbm>>
    %dma_wait3A_126 = arith.constant 0 : i32
    %dma_wait3A_127 = tpu.memref_slice %arg5[%dma_wait3A_121, %dma_wait3A_126] : memref<3x128xi32, #tpu.memory_space<vmem>> -> memref<1x128xi32, #tpu.memory_space<vmem>>
    %dma_wait3A_128 = tpu.memref_squeeze %dma_wait3A_127 : memref<1x128xi32, #tpu.memory_space<vmem>> -> memref<128xi32, #tpu.memory_space<vmem>>
    %dma_wait3A_129 = tpu.memref_slice %arg3[%mul3A_112] : memref<160000xi32, #tpu.memory_space<hbm>> -> memref<128xi32, #tpu.memory_space<hbm>>
    tpu.wait_dma2 semaphore(%arg9 : memref<!tpu.dma_semaphore, #tpu.memory_space<semaphore_mem>>) src(%dma_wait3A_129 : memref<128xi32, #tpu.memory_space<hbm>>) dst(%dma_wait3A_128 : memref<128xi32, #tpu.memory_space<vmem>>)
    %mul3A_130 = arith.constant 128 : i32
    %mul3A_131 = arith.muli %sub3A_6, %mul3A_130 : i32
    %dma_wait3A_132 = arith.constant 256 : i32
    %dma_wait3A_133 = arith.constant 0 : i32
    %dma_wait3A_134 = tpu.memref_slice %arg6[%dma_wait3A_132, %dma_wait3A_133] : memref<384x128xf32, #tpu.memory_space<vmem>> -> memref<128x128xf32, #tpu.memory_space<vmem>>
    %dma_wait3A_135 = tpu.memref_slice %arg2[%mul3A_131, %mul3A_0] : memref<160000x256xf32, #tpu.memory_space<hbm>> -> memref<128x128xf32, #tpu.memory_space<hbm>>
    %dma_wait3A_136 = arith.constant 256 : i32
    %dma_wait3A_137 = arith.constant 0 : i32
    %dma_wait3A_138 = tpu.memref_slice %arg6[%dma_wait3A_136, %dma_wait3A_137] : memref<384x128xf32, #tpu.memory_space<vmem>> -> memref<128x128xf32, #tpu.memory_space<vmem>>
    %dma_wait3A_139 = tpu.memref_slice %arg2[%mul3A_131, %mul3A_0] : memref<160000x256xf32, #tpu.memory_space<hbm>> -> memref<128x128xf32, #tpu.memory_space<hbm>>
    tpu.wait_dma2 semaphore(%arg10 : memref<!tpu.dma_semaphore, #tpu.memory_space<semaphore_mem>>) src(%dma_wait3A_139 : memref<128x128xf32, #tpu.memory_space<hbm>>) dst(%dma_wait3A_138 : memref<128x128xf32, #tpu.memory_space<vmem>>)
    %dma_wait3A_140 = arith.constant 2 : i32
    %dma_wait3A_141 = arith.constant 0 : i32
    %dma_wait3A_142 = tpu.memref_slice %arg5[%dma_wait3A_140, %dma_wait3A_141] : memref<3x128xi32, #tpu.memory_space<vmem>> -> memref<1x128xi32, #tpu.memory_space<vmem>>
    %dma_wait3A_143 = tpu.memref_squeeze %dma_wait3A_142 : memref<1x128xi32, #tpu.memory_space<vmem>> -> memref<128xi32, #tpu.memory_space<vmem>>
    %dma_wait3A_144 = tpu.memref_slice %arg3[%mul3A_131] : memref<160000xi32, #tpu.memory_space<hbm>> -> memref<128xi32, #tpu.memory_space<hbm>>
    %dma_wait3A_145 = arith.constant 0 : i32
    %dma_wait3A_146 = tpu.memref_slice %arg5[%dma_wait3A_140, %dma_wait3A_145] : memref<3x128xi32, #tpu.memory_space<vmem>> -> memref<1x128xi32, #tpu.memory_space<vmem>>
    %dma_wait3A_147 = tpu.memref_squeeze %dma_wait3A_146 : memref<1x128xi32, #tpu.memory_space<vmem>> -> memref<128xi32, #tpu.memory_space<vmem>>
    %dma_wait3A_148 = tpu.memref_slice %arg3[%mul3A_131] : memref<160000xi32, #tpu.memory_space<hbm>> -> memref<128xi32, #tpu.memory_space<hbm>>
    tpu.wait_dma2 semaphore(%arg10 : memref<!tpu.dma_semaphore, #tpu.memory_space<semaphore_mem>>) src(%dma_wait3A_148 : memref<128xi32, #tpu.memory_space<hbm>>) dst(%dma_wait3A_147 : memref<128xi32, #tpu.memory_space<vmem>>)
    %lt3A = arith.constant 2 : i32
    %lt3A_149 = arith.cmpi slt, %arg1, %lt3A : i32
    %convert_element_type3A_150 = arith.extui %lt3A_149 : i1 to i32
    %cond3A_151 = arith.constant 0 : i32
    %cond3A_152 = arith.cmpi ne, %convert_element_type3A_150, %cond3A_151 : i32
    scf.if %cond3A_152 {
      %add3A_159 = arith.constant 1248 : i32
      %add3A_160 = arith.addi %add3A_159, %arg1 : i32
      %mul3A_161 = arith.constant 128 : i32
      %mul3A_162 = arith.muli %add3A_160, %mul3A_161 : i32
      %run_scoped3A = arith.constant 0 : i32
      "tpu.region"() ({
        %run_scoped3A_164 = tpu.sem_alloc : memref<!tpu.dma_semaphore, #tpu.memory_space<semaphore_mem>>
        %dma_start3A_165 = arith.constant 0 : i32
        %dma_start3A_166 = tpu.memref_slice %arg5[%run_scoped3A, %dma_start3A_165] : memref<3x128xi32, #tpu.memory_space<vmem>> -> memref<1x128xi32, #tpu.memory_space<vmem>>
        %dma_start3A_167 = tpu.memref_squeeze %dma_start3A_166 : memref<1x128xi32, #tpu.memory_space<vmem>> -> memref<128xi32, #tpu.memory_space<vmem>>
        %dma_start3A_168 = tpu.memref_slice %arg3[%mul3A_162] : memref<160000xi32, #tpu.memory_space<hbm>> -> memref<128xi32, #tpu.memory_space<hbm>>
        %dma_start3A_169 = arith.constant 0 : i32
        %dma_start3A_170 = tpu.memref_slice %arg5[%run_scoped3A, %dma_start3A_169] : memref<3x128xi32, #tpu.memory_space<vmem>> -> memref<1x128xi32, #tpu.memory_space<vmem>>
        %dma_start3A_171 = tpu.memref_squeeze %dma_start3A_170 : memref<1x128xi32, #tpu.memory_space<vmem>> -> memref<128xi32, #tpu.memory_space<vmem>>
        %dma_start3A_172 = tpu.memref_slice %arg3[%mul3A_162] : memref<160000xi32, #tpu.memory_space<hbm>> -> memref<128xi32, #tpu.memory_space<hbm>>
        tpu.enqueue_dma source(%dma_start3A_172 : memref<128xi32, #tpu.memory_space<hbm>>) target(%dma_start3A_171 : memref<128xi32, #tpu.memory_space<vmem>>) target_semaphore(%run_scoped3A_164 : memref<!tpu.dma_semaphore, #tpu.memory_space<semaphore_mem>>)
        %dma_wait3A_173 = arith.constant 0 : i32
        %dma_wait3A_174 = tpu.memref_slice %arg5[%run_scoped3A, %dma_wait3A_173] : memref<3x128xi32, #tpu.memory_space<vmem>> -> memref<1x128xi32, #tpu.memory_space<vmem>>
        %dma_wait3A_175 = tpu.memref_squeeze %dma_wait3A_174 : memref<1x128xi32, #tpu.memory_space<vmem>> -> memref<128xi32, #tpu.memory_space<vmem>>
        %dma_wait3A_176 = tpu.memref_slice %arg3[%mul3A_162] : memref<160000xi32, #tpu.memory_space<hbm>> -> memref<128xi32, #tpu.memory_space<hbm>>
        %dma_wait3A_177 = arith.constant 0 : i32
        %dma_wait3A_178 = tpu.memref_slice %arg5[%run_scoped3A, %dma_wait3A_177] : memref<3x128xi32, #tpu.memory_space<vmem>> -> memref<1x128xi32, #tpu.memory_space<vmem>>
        %dma_wait3A_179 = tpu.memref_squeeze %dma_wait3A_178 : memref<1x128xi32, #tpu.memory_space<vmem>> -> memref<128xi32, #tpu.memory_space<vmem>>
        %dma_wait3A_180 = tpu.memref_slice %arg3[%mul3A_162] : memref<160000xi32, #tpu.memory_space<hbm>> -> memref<128xi32, #tpu.memory_space<hbm>>
        tpu.wait_dma2 semaphore(%run_scoped3A_164 : memref<!tpu.dma_semaphore, #tpu.memory_space<semaphore_mem>>) src(%dma_wait3A_180 : memref<128xi32, #tpu.memory_space<hbm>>) dst(%dma_wait3A_179 : memref<128xi32, #tpu.memory_space<vmem>>)
        tpu.yield
      }) : () -> ()
      "tpu.region"() ({
        %run_scoped3A_164 = tpu.sem_alloc : memref<!tpu.dma_semaphore, #tpu.memory_space<semaphore_mem>>
        %dma_start3A_165 = arith.constant 0 : i32
        %dma_start3A_166 = arith.constant 0 : i32
        %dma_start3A_167 = tpu.memref_slice %arg6[%dma_start3A_165, %dma_start3A_166] : memref<384x128xf32, #tpu.memory_space<vmem>> -> memref<128x128xf32, #tpu.memory_space<vmem>>
        %dma_start3A_168 = tpu.memref_slice %arg2[%mul3A_162, %mul3A_0] : memref<160000x256xf32, #tpu.memory_space<hbm>> -> memref<128x128xf32, #tpu.memory_space<hbm>>
        %dma_start3A_169 = arith.constant 0 : i32
        %dma_start3A_170 = arith.constant 0 : i32
        %dma_start3A_171 = tpu.memref_slice %arg6[%dma_start3A_169, %dma_start3A_170] : memref<384x128xf32, #tpu.memory_space<vmem>> -> memref<128x128xf32, #tpu.memory_space<vmem>>
        %dma_start3A_172 = tpu.memref_slice %arg2[%mul3A_162, %mul3A_0] : memref<160000x256xf32, #tpu.memory_space<hbm>> -> memref<128x128xf32, #tpu.memory_space<hbm>>
        tpu.enqueue_dma source(%dma_start3A_172 : memref<128x128xf32, #tpu.memory_space<hbm>>) target(%dma_start3A_171 : memref<128x128xf32, #tpu.memory_space<vmem>>) target_semaphore(%run_scoped3A_164 : memref<!tpu.dma_semaphore, #tpu.memory_space<semaphore_mem>>)
        %dma_wait3A_173 = arith.constant 0 : i32
        %dma_wait3A_174 = arith.constant 0 : i32
        %dma_wait3A_175 = tpu.memref_slice %arg6[%dma_wait3A_173, %dma_wait3A_174] : memref<384x128xf32, #tpu.memory_space<vmem>> -> memref<128x128xf32, #tpu.memory_space<vmem>>
        %dma_wait3A_176 = tpu.memref_slice %arg2[%mul3A_162, %mul3A_0] : memref<160000x256xf32, #tpu.memory_space<hbm>> -> memref<128x128xf32, #tpu.memory_space<hbm>>
        %dma_wait3A_177 = arith.constant 0 : i32
        %dma_wait3A_178 = arith.constant 0 : i32
        %dma_wait3A_179 = tpu.memref_slice %arg6[%dma_wait3A_177, %dma_wait3A_178] : memref<384x128xf32, #tpu.memory_space<vmem>> -> memref<128x128xf32, #tpu.memory_space<vmem>>
        %dma_wait3A_180 = tpu.memref_slice %arg2[%mul3A_162, %mul3A_0] : memref<160000x256xf32, #tpu.memory_space<hbm>> -> memref<128x128xf32, #tpu.memory_space<hbm>>
        tpu.wait_dma2 semaphore(%run_scoped3A_164 : memref<!tpu.dma_semaphore, #tpu.memory_space<semaphore_mem>>) src(%dma_wait3A_180 : memref<128x128xf32, #tpu.memory_space<hbm>>) dst(%dma_wait3A_179 : memref<128x128xf32, #tpu.memory_space<vmem>>)
        tpu.yield
      }) : () -> ()
      %run_scoped3A_163 = arith.constant 0 : i32
      "tpu.region"() ({
        %run_scoped3A_164 = tpu.sem_alloc : memref<!tpu.dma_semaphore, #tpu.memory_space<semaphore_mem>>
        %dma_start3A_165 = arith.constant 0 : i32
        %dma_start3A_166 = arith.constant 0 : i32
        %dma_start3A_167 = tpu.memref_slice %arg6[%dma_start3A_165, %dma_start3A_166] : memref<384x128xf32, #tpu.memory_space<vmem>> -> memref<128x128xf32, #tpu.memory_space<vmem>>
        %dma_start3A_168 = arith.constant 0 : i32
        %dma_start3A_169 = tpu.memref_slice %arg5[%run_scoped3A_163, %dma_start3A_168] : memref<3x128xi32, #tpu.memory_space<vmem>> -> memref<1x128xi32, #tpu.memory_space<vmem>>
        %dma_start3A_170 = tpu.memref_squeeze %dma_start3A_169 : memref<1x128xi32, #tpu.memory_space<vmem>> -> memref<128xi32, #tpu.memory_space<vmem>>
        %dma_start3A_171 = arith.constant 0 : i32
        %dma_start3A_172 = arith.constant 0 : i32
        %dma_start3A_173 = tpu.memref_slice %arg7[%dma_start3A_171, %dma_start3A_172] : memref<10000x128xf32, #tpu.memory_space<vmem_shared>> -> memref<10000x128xf32, #tpu.memory_space<vmem_shared>>
        tpu.enqueue_indirect_dma source(%dma_start3A_167 : memref<128x128xf32, #tpu.memory_space<vmem>>) target(%dma_start3A_173 : memref<10000x128xf32, #tpu.memory_space<vmem_shared>>) offsets(%dma_start3A_170 : memref<128xi32, #tpu.memory_space<vmem>>) semaphore(%run_scoped3A_164 : memref<!tpu.dma_semaphore, #tpu.memory_space<semaphore_mem>>) {add = true}
        %dma_wait3A_174 = arith.constant 0 : i32
        %dma_wait3A_175 = arith.constant 0 : i32
        %dma_wait3A_176 = tpu.memref_slice %arg6[%dma_wait3A_174, %dma_wait3A_175] : memref<384x128xf32, #tpu.memory_space<vmem>> -> memref<128x128xf32, #tpu.memory_space<vmem>>
        %dma_wait3A_177 = arith.constant 0 : i32
        %dma_wait3A_178 = tpu.memref_slice %arg5[%run_scoped3A_163, %dma_wait3A_177] : memref<3x128xi32, #tpu.memory_space<vmem>> -> memref<1x128xi32, #tpu.memory_space<vmem>>
        %dma_wait3A_179 = tpu.memref_squeeze %dma_wait3A_178 : memref<1x128xi32, #tpu.memory_space<vmem>> -> memref<128xi32, #tpu.memory_space<vmem>>
        %dma_wait3A_180 = arith.constant 0 : i32
        %dma_wait3A_181 = arith.constant 0 : i32
        %dma_wait3A_182 = tpu.memref_slice %arg7[%dma_wait3A_180, %dma_wait3A_181] : memref<10000x128xf32, #tpu.memory_space<vmem_shared>> -> memref<10000x128xf32, #tpu.memory_space<vmem_shared>>
        tpu.wait_indirect_dma semaphore(%run_scoped3A_164 : memref<!tpu.dma_semaphore, #tpu.memory_space<semaphore_mem>>) src(%dma_wait3A_176 : memref<128x128xf32, #tpu.memory_space<vmem>>) dst(%dma_wait3A_182 : memref<10000x128xf32, #tpu.memory_space<vmem_shared>>)
        tpu.yield
      }) : () -> ()
    } else {
    }
    %barrier3A_153 = arith.constant 0 : index
    tpu.barrier barrier_id(%barrier3A_153)
    "tpu.region"() ({
      %run_scoped3A = tpu.sem_alloc : memref<!tpu.dma_semaphore, #tpu.memory_space<semaphore_mem>>
      %dma_start3A_159 = tpu.memref_slice %arg4[%mul3A_2, %mul3A_0] : memref<10000x256xf32, #tpu.memory_space<hbm>> -> memref<624x128xf32, #tpu.memory_space<hbm>>
      %dma_start3A_160 = arith.constant 0 : i32
      %dma_start3A_161 = tpu.memref_slice %arg7[%mul3A_2, %dma_start3A_160] : memref<10000x128xf32, #tpu.memory_space<vmem_shared>> -> memref<624x128xf32, #tpu.memory_space<vmem_shared>>
      tpu.enqueue_dma source(%dma_start3A_161 : memref<624x128xf32, #tpu.memory_space<vmem_shared>>) target(%dma_start3A_159 : memref<624x128xf32, #tpu.memory_space<hbm>>) target_semaphore(%run_scoped3A : memref<!tpu.dma_semaphore, #tpu.memory_space<semaphore_mem>>)
      %dma_wait3A_162 = tpu.memref_slice %arg4[%mul3A_2, %mul3A_0] : memref<10000x256xf32, #tpu.memory_space<hbm>> -> memref<624x128xf32, #tpu.memory_space<hbm>>
      %dma_wait3A_163 = arith.constant 0 : i32
      %dma_wait3A_164 = tpu.memref_slice %arg7[%mul3A_2, %dma_wait3A_163] : memref<10000x128xf32, #tpu.memory_space<vmem_shared>> -> memref<624x128xf32, #tpu.memory_space<vmem_shared>>
      tpu.wait_dma2 semaphore(%run_scoped3A : memref<!tpu.dma_semaphore, #tpu.memory_space<semaphore_mem>>) src(%dma_wait3A_164 : memref<624x128xf32, #tpu.memory_space<vmem_shared>>) dst(%dma_wait3A_162 : memref<624x128xf32, #tpu.memory_space<hbm>>)
      tpu.yield
    }) : () -> ()
    %eq3A_154 = arith.constant 15 : i32
    %eq3A_155 = arith.cmpi eq, %arg1, %eq3A_154 : i32
    %convert_element_type3A_156 = arith.extui %eq3A_155 : i1 to i32
    %cond3A_157 = arith.constant 0 : i32
    %cond3A_158 = arith.cmpi ne, %convert_element_type3A_156, %cond3A_157 : i32
    scf.if %cond3A_158 {
      "tpu.region"() ({
        %run_scoped3A = tpu.sem_alloc : memref<!tpu.dma_semaphore, #tpu.memory_space<semaphore_mem>>
        %dma_start3A_159 = arith.constant 9984 : i32
        %dma_start3A_160 = tpu.memref_slice %arg4[%dma_start3A_159, %mul3A_0] : memref<10000x256xf32, #tpu.memory_space<hbm>> -> memref<16x128xf32, #tpu.memory_space<hbm>>
        %dma_start3A_161 = arith.constant 9984 : i32
        %dma_start3A_162 = arith.constant 0 : i32
        %dma_start3A_163 = tpu.memref_slice %arg7[%dma_start3A_161, %dma_start3A_162] : memref<10000x128xf32, #tpu.memory_space<vmem_shared>> -> memref<16x128xf32, #tpu.memory_space<vmem_shared>>
        tpu.enqueue_dma source(%dma_start3A_163 : memref<16x128xf32, #tpu.memory_space<vmem_shared>>) target(%dma_start3A_160 : memref<16x128xf32, #tpu.memory_space<hbm>>) target_semaphore(%run_scoped3A : memref<!tpu.dma_semaphore, #tpu.memory_space<semaphore_mem>>)
        %dma_wait3A_164 = arith.constant 9984 : i32
        %dma_wait3A_165 = tpu.memref_slice %arg4[%dma_wait3A_164, %mul3A_0] : memref<10000x256xf32, #tpu.memory_space<hbm>> -> memref<16x128xf32, #tpu.memory_space<hbm>>
        %dma_wait3A_166 = arith.constant 9984 : i32
        %dma_wait3A_167 = arith.constant 0 : i32
        %dma_wait3A_168 = tpu.memref_slice %arg7[%dma_wait3A_166, %dma_wait3A_167] : memref<10000x128xf32, #tpu.memory_space<vmem_shared>> -> memref<16x128xf32, #tpu.memory_space<vmem_shared>>
        tpu.wait_dma2 semaphore(%run_scoped3A : memref<!tpu.dma_semaphore, #tpu.memory_space<semaphore_mem>>) src(%dma_wait3A_168 : memref<16x128xf32, #tpu.memory_space<vmem_shared>>) dst(%dma_wait3A_165 : memref<16x128xf32, #tpu.memory_space<hbm>>)
        tpu.yield
      }) : () -> ()
    } else {
    }
    return
  }
}

module attributes {stable_mosaic.version = 14 : i64} {
  func.func @body(%arg0: i32, %arg1: memref<5000x256xf32, #tpu.memory_space<vmem>>, %arg2: memref<5000x256xf32, #tpu.memory_space<vmem>>, %arg3: memref<256x300xf32, #tpu.memory_space<vmem>>, %arg4: memref<256x300xf32, #tpu.memory_space<vmem>>, %arg5: memref<1x300xf32, #tpu.memory_space<vmem>>, %arg6: memref<5000x300xf32, #tpu.memory_space<vmem>>) attributes {dimension_semantics = [#tpu.dimension_semantics<arbitrary>], iteration_bounds = array<i64: 2>, scalar_prefetch = 0 : i64, scratch_operands = 0 : i64, tpu.core_type = #tpu.core_type<tc>, window_params = [{transform_indices = @transform_0, window_bounds = array<i64: 5000, 256>}, {transform_indices = @transform_1, window_bounds = array<i64: 5000, 256>}, {transform_indices = @transform_2, window_bounds = array<i64: 256, 300>}, {transform_indices = @transform_3, window_bounds = array<i64: 256, 300>}, {pipeline_mode = #tpu.pipeline_mode<synchronous>, transform_indices = @transform_4, window_bounds = array<i64: 1, 300>}, {transform_indices = @transform_5, window_bounds = array<i64: 5000, 300>}]} {
    %get3A = arith.constant 0 : index
    %get3A_0 = arith.constant 0 : index
    %get3A_1 = vector.load %arg1[%get3A, %get3A_0] : memref<5000x256xf32, #tpu.memory_space<vmem>>, vector<5000x256xf32>
    %convert_element_type3A = arith.truncf %get3A_1 : vector<5000x256xf32> to vector<5000x256xbf16>
    %get3A_2 = arith.constant 0 : index
    %get3A_3 = arith.constant 0 : index
    %get3A_4 = vector.load %arg3[%get3A_2, %get3A_3] : memref<256x300xf32, #tpu.memory_space<vmem>>, vector<256x300xf32>
    %convert_element_type3A_5 = arith.truncf %get3A_4 : vector<256x300xf32> to vector<256x300xbf16>
    %dot_general3A = arith.constant dense<0.000000e+00> : vector<5000x300xf32>
    %dot_general3A_6 = tpu.matmul %convert_element_type3A, %convert_element_type3A_5, %dot_general3A {dimension_numbers = #tpu.dot_dimension_numbers<[1], [0], [0], [1], [0, 0, 1, 1], [], []>, transpose_lhs_hint = false} : vector<5000x256xbf16>, vector<256x300xbf16>, vector<5000x300xf32> -> vector<5000x300xf32>
    %get3A_7 = arith.constant 0 : index
    %get3A_8 = arith.constant 0 : index
    %get3A_9 = vector.load %arg2[%get3A_7, %get3A_8] : memref<5000x256xf32, #tpu.memory_space<vmem>>, vector<5000x256xf32>
    %convert_element_type3A_10 = arith.truncf %get3A_9 : vector<5000x256xf32> to vector<5000x256xbf16>
    %get3A_11 = arith.constant 0 : index
    %get3A_12 = arith.constant 0 : index
    %get3A_13 = vector.load %arg4[%get3A_11, %get3A_12] : memref<256x300xf32, #tpu.memory_space<vmem>>, vector<256x300xf32>
    %convert_element_type3A_14 = arith.truncf %get3A_13 : vector<256x300xf32> to vector<256x300xbf16>
    %dot_general3A_15 = arith.constant dense<0.000000e+00> : vector<5000x300xf32>
    %dot_general3A_16 = tpu.matmul %convert_element_type3A_10, %convert_element_type3A_14, %dot_general3A_15 {dimension_numbers = #tpu.dot_dimension_numbers<[1], [0], [0], [1], [0, 0, 1, 1], [], []>, transpose_lhs_hint = false} : vector<5000x256xbf16>, vector<256x300xbf16>, vector<5000x300xf32> -> vector<5000x300xf32>
    %add3A = arith.addf %dot_general3A_6, %dot_general3A_16 : vector<5000x300xf32>
    %get3A_17 = arith.constant 0 : index
    %get3A_18 = arith.constant 0 : index
    %get3A_19 = vector.load %arg5[%get3A_17, %get3A_18] : memref<1x300xf32, #tpu.memory_space<vmem>>, vector<1x300xf32>
    %add3A_20 = vector.broadcast %get3A_19 : vector<1x300xf32> to vector<5000x300xf32>
    %add3A_21 = arith.addf %add3A, %add3A_20 : vector<5000x300xf32>
    %max3A = arith.constant 0.000000e+00 : f32
    %max3A_22 = vector.broadcast %max3A : f32 to vector<5000x300xf32>
    %max3A_23 = arith.maximumf %add3A_21, %max3A_22 : vector<5000x300xf32>
    %swap3A = arith.constant 0 : index
    %swap3A_24 = arith.constant 0 : index
    %swap3A_25 = vector.load %arg6[%swap3A, %swap3A_24] : memref<5000x300xf32, #tpu.memory_space<vmem>>, vector<5000x300xf32>
    tpu.vector_store %arg6[%swap3A, %swap3A_24], %max3A_23 {strides = array<i32>} : memref<5000x300xf32, #tpu.memory_space<vmem>>, vector<5000x300xf32>,
    return
  }
  func.func @transform_0(%arg0: i32) -> (i32, i32) {
    %c0_i32 = arith.constant 0 : i32
    %c0_i32_0 = arith.constant 0 : i32
    return %arg0, %c0_i32 : i32, i32
  }
  func.func @transform_1(%arg0: i32) -> (i32, i32) {
    %c0_i32 = arith.constant 0 : i32
    %c0_i32_0 = arith.constant 0 : i32
    return %arg0, %c0_i32 : i32, i32
  }
  func.func @transform_2(%arg0: i32) -> (i32, i32) {
    %c0_i32 = arith.constant 0 : i32
    %c0_i32_0 = arith.constant 0 : i32
    %c0_i32_1 = arith.constant 0 : i32
    return %c0_i32, %c0_i32_0 : i32, i32
  }
  func.func @transform_3(%arg0: i32) -> (i32, i32) {
    %c1_i32 = arith.constant 1 : i32
    %c0_i32 = arith.constant 0 : i32
    %c0_i32_0 = arith.constant 0 : i32
    return %c1_i32, %c0_i32 : i32, i32
  }
  func.func @transform_4(%arg0: i32) -> (i32, i32) {
    %c0_i32 = arith.constant 0 : i32
    %c0_i32_0 = arith.constant 0 : i32
    %c0_i32_1 = arith.constant 0 : i32
    return %c0_i32, %c0_i32_0 : i32, i32
  }
  func.func @transform_5(%arg0: i32) -> (i32, i32) {
    %c0_i32 = arith.constant 0 : i32
    %c0_i32_0 = arith.constant 0 : i32
    return %arg0, %c0_i32 : i32, i32
  }
}

</mosaic_0001>

<sc_bundles>
// kernel: kernel.4.cloned.1.call-start
scs
__scs_entry_jumppad:
0x0: {  	(pc) =	sbr.rel $0x88, $3  }
0x1: {  	(tag) =	ssettag $0x0;
	lr =	simm.s32 $0x1  }
0x2: {  	[smem:$0x3F9C] =	sst lr;
	_ =	strace $0xD0000000  }
0x3: {  	_ = 	snop  }
0x4: {  	_ = 	snop  }
0x5: {  	_ = 	snop  }
0x6: {  	_ = 	snop  }
0x7: {  	_ = 	snop  }
__scs_overlays_trampoline_lowered:
0x8: {  	[smem:$0x3FAB] =	sst s0  }
0x9: {  	[smem:$0x3FAC] =	sst s1  }
0xa: {  	[smem:$0x3FAD] =	sst s2  }
0xb: {  	[smem:$0x3FAE] =	sst s3  }
0xc: {  	[smem:$0x3FAF] =	sst s4  }
0xd: {  	[smem:$0x3FB0] =	sst s5  }
0xe: {  	[smem:$0x3FB1] =	sst s6  }
0xf: {  	[smem:$0x3FB2] =	sst s7  }
0x10: {  	[smem:$0x3FB3] =	sst s8  }
0x11: {  	[smem:$0x3FB4] =	sst s9;
	s0 =	simm.s32 @!p0 $0x0  }
0x12: {  	s1 =	sld [smem:$0x3F9A];
	s0 =	simm.s32 @p0 $0x1  }
0x13: {  	[smem:$0x3FB5] =	sst s0;
	s0 =	simm.s32 @!p1 $0x0  }
0x14: {  	s2 =	sld [smem:$0x3F99];
	s0 =	simm.s32 @p1 $0x1  }
0x15: {  	[smem:$0x3FB6] =	sst s0;
	s0 =	simm.s32 @!p2 $0x0  }
0x16: {  	s3 =	sld [smem:$0x3FDB];
	s0 =	simm.s32 @p2 $0x1  }
0x17: {  	s4 =	simm.s32 $0x1BF5;
	[smem:$0x3FB8] =	sst s0  }
0x18: {  	s0 =	sld [smem:$0x3F9B];
	_ =	swait.ge [sflag:s4], $0x0  }
0x19: {  	s7 =	sld [smem:$0x3F9C]  }
0x1a: {  	s8 =	sadd.s32 $0xFFFFE003, lr  }
0x1b: {  	s9 =	sadd.s32 $0xFFFFFEF7, lr;
	s5 =	simm.s32 $0xFFFFFFFF;
	p2 =	slt.u32 s8, $0xFFFFF086  }
0x1c: {  	p1 =	slt.u32 s9, $0xF7A;
	s5 =	simm.s32 @!p2 $0x0  }
0x1d: {  	s5 =	simm.s32 @p1 $0x1;
	p0 =	seq.s32 s7, s2  }
0x1e: {  	s7 =	smul.u32 @!p0 $0xF7A, s2;
	p2 =	seq.s32 @!p0 s5, $0x0  }
0x1f: {  	s9 =	smul.u32 $0xF7A, s1;
	s8 =	simm.s32 @!p0 $0x1BF5;
	p2 =	por !p2, p0  }
0x20: {  	[sflag:s8] =	ssyncset.s32 @!p0 $0xFFFFF086;
	s6 =	sadd.s32 @!p0 s3, s7;
	s7 =	simm.s32 @!p0 $0x108  }
0x21: {  	s3 =	sadd.s32 s3, s9;
	s6 =	sadd.s32 @!p0 $0x88, s6;
	s7 =	simm.s32 @p2 $0x1082  }
0x22: {  	[simem:s7], [sflag:s8] =	dma.local @!p0 [hbm:s6], $0xF7A  }
0x23: {  	s9 =	sor.u32 $0xD0000000, s2;
	s6 =	simm.s32 $0x108;
	_ =	swait.ge @!p0 [sflag:s8], $0x0  }
0x24: {  	s3 =	sadd.s32 $0x88, s3;
	s6 =	simm.s32 @!p1 $0x1082;
	[sflag:s4] =	ssyncset.s32 $0xFFFFF086  }
0x25: {  	[simem:s6], [sflag:s4] =	dma.local [hbm:s3], $0xF7A  }
0x26: {  	[smem:$0x3F9C] =	sst s1;
	(tag) =	ssettag s2;
	_ =	strace s9  }
0x27: {  	s1 =	sld [smem:$0x3FAC]  }
0x28: {  	s2 =	sld [smem:$0x3FAD]  }
0x29: {  	s4 =	sld [smem:$0x3FAF]  }
0x2a: {  	p0 =	seq.s32 s5, $0x0;
	s5 =	sld [smem:$0x3FB0]  }
0x2b: {  	s6 =	sld [smem:$0x3FB1]  }
0x2c: {  	s7 =	sld [smem:$0x3FB2]  }
0x2d: {  	s3 =	simm.s32 $0x108;
	s8 =	sld [smem:$0x3FB3]  }
0x2e: {  	s3 =	simm.s32 @!p0 $0x1082;
	s9 =	sld [smem:$0x3FB4]  }
0x2f: {  	lr =	sadd.s32 s0, s3;
	s0 =	sld [smem:$0x3FAB]  }
0x30: {  	s3 =	sld [smem:$0x3FAE]  }
0x31: {  	[smem:$0x3FB7] =	sst s10  }
0x32: {  	s10 =	sld [smem:$0x3FB5];
	_ =	sdelay $0x3  }
0x33: {  	p0 =	seq.s32 s10, $0x1;
	s10 =	sld [smem:$0x3FB7];
	_ =	sdelay $0x3  }
0x34: {  	[smem:$0x3FB7] =	sst s10  }
0x35: {  	s10 =	sld [smem:$0x3FB6];
	_ =	sdelay $0x3  }
0x36: {  	p1 =	seq.s32 s10, $0x1;
	s10 =	sld [smem:$0x3FB7];
	_ =	sdelay $0x3  }
0x37: {  	[smem:$0x3FB7] =	sst s10  }
0x38: {  	s10 =	sld [smem:$0x3FB8]  }
0x39: {  	_ = 	snop;
	(pc) =	sbr.ind lr, $3  }
0x3a: {  	_ = 	snop  }
0x3b: {  	_ = 	snop  }
0x3c: {  	p2 =	seq.s32 s10, $0x1;
	s10 =	sld [smem:$0x3FB7]  }
0x3d: {  	_ =	shalt  }
0x3e: {  	_ =	shalt  }
0x3f: {  	_ =	shalt  }
0x40: {  	_ =	shalt  }
0x41: {  	_ =	shalt  }
0x42: {  	_ =	shalt  }
0x43: {  	_ =	shalt  }
0x44: {  	_ =	shalt  }
0x45: {  	_ =	shalt  }
0x46: {  	_ =	shalt  }
0x47: {  	_ =	shalt  }
0x48: {  	_ =	shalt  }
0x49: {  	_ =	shalt  }
0x4a: {  	_ =	shalt  }
0x4b: {  	_ =	shalt  }
0x4c: {  	_ =	shalt  }
0x4d: {  	_ =	shalt  }
0x4e: {  	_ =	shalt  }
0x4f: {  	_ =	shalt  }
0x50: {  	_ =	shalt  }
0x51: {  	_ =	shalt  }
0x52: {  	_ =	shalt  }
0x53: {  	_ =	shalt  }
0x54: {  	_ =	shalt  }
0x55: {  	_ =	shalt  }
0x56: {  	_ =	shalt  }
0x57: {  	_ =	shalt  }
0x58: {  	_ =	shalt  }
0x59: {  	_ =	shalt  }
0x5a: {  	_ =	shalt  }
0x5b: {  	_ =	shalt  }
0x5c: {  	_ =	shalt  }
0x5d: {  	_ =	shalt  }
0x5e: {  	_ =	shalt  }
0x5f: {  	_ =	shalt  }
0x60: {  	_ =	shalt  }
0x61: {  	_ =	shalt  }
0x62: {  	_ =	shalt  }
0x63: {  	_ =	shalt  }
0x64: {  	_ =	shalt  }
0x65: {  	_ =	shalt  }
0x66: {  	_ =	shalt  }
0x67: {  	_ =	shalt  }
0x68: {  	_ =	shalt  }
0x69: {  	_ =	shalt  }
0x6a: {  	_ =	shalt  }
0x6b: {  	_ =	shalt  }
0x6c: {  	_ =	shalt  }
0x6d: {  	_ =	shalt  }
0x6e: {  	_ =	shalt  }
0x6f: {  	_ =	shalt  }
0x70: {  	_ =	shalt  }
0x71: {  	_ =	shalt  }
0x72: {  	_ =	shalt  }
0x73: {  	_ =	shalt  }
0x74: {  	_ =	shalt  }
0x75: {  	_ =	shalt  }
0x76: {  	_ =	shalt  }
0x77: {  	_ =	shalt  }
0x78: {  	_ =	shalt  }
0x79: {  	_ =	shalt  }
0x7a: {  	_ =	shalt  }
0x7b: {  	_ =	shalt  }
0x7c: {  	_ =	shalt  }
0x7d: {  	_ =	shalt  }
0x7e: {  	_ =	shalt  }
0x7f: {  	_ =	shalt  }
0x80: {  	_ =	shalt  }
0x81: {  	_ =	shalt  }
0x82: {  	_ =	shalt  }
0x83: {  	_ =	shalt  }
0x84: {  	_ =	shalt  }
0x85: {  	_ =	shalt  }
0x86: {  	_ =	shalt  }
0x87: {  	_ =	shalt  }
.Lfunc_end0:
.L_simem_size_0:
called_computation_lowered:
.L_overlay_start_0:
0x88: {  	s2 =	sld [smem:$0x3FD9]  }
0x89: {  	s3 =	sld [smem:$0x3FFE];
	_ =	sdelay $0x1  }
0x8a: {  	s1 =	srdreg.scid  }
0x8b: {  	s0 =	sand.u32 $0x1, s1  }
0x8c: {  	s18 =	sshll.u32 s0, $0xA;
	s2 =	sadd.s32 s3, s2  }
0x8d: {  	s2 =	sadd.s32 s2, s18  }
0x8e: {  	[smem:$0x3FC3] =	sst s2  }
0x8f: {  	_ = 	snop  }
0x90: {  	s2 =	sld [smem:$0x3FC8]  }
0x91: {  	s19 =	sld [smem:$0x3FC7]  }
0x92: {  	s4 =	sld [smem:$0x3FD0];
	(tm) =	ssettm $0x1  }
0x93: {  	s5 =	sld [smem:$0x3FFB];
	_ =	sdelay $0x3  }
0x94: {  	_ =	strace s5  }
0x95: {  	s5 =	sld [smem:$0x3FFC];
	_ =	sdelay $0x3  }
0x96: {  	_ =	strace s5  }
0x97: {  	s5 =	sld [smem:$0x3FFD];
	_ =	sdelay $0x3  }
0x98: {  	_ =	strace s5  }
0x99: {  	_ =	strace $0x8FFFFFFF  }
0x9a: {  	s20 =	sld [smem:$0x3FDB];
	_ =	sdelay $0x1  }
0x9b: {  	s6 =	simm.s32 $_scs_section_size  }
0x9c: {  	s7 =	simm.s32 $_size__tile_overlayer_lowered;
	s8 =	simm.s32 $_tile_overlayer_lowered  }
0x9d: {  	s23 =	simm.s32 $0x1BFF;
	s22 =	sshll.u32 s8, $0x1;
	s5 =	sadd.s32 s6, s20  }
0x9e: {  	s9 =	simm.s32 $0x0;
	s21 =	sshll.u32 s7, $0x1;
	s7 =	sadd.s32 s22, s5  }
0x9f: {  	[timem:s9], [sflag:s23] =	dma.local [hbm:s7], s21  }
0xa0: {  	_ =	swait.ge [sflag:s23], s21  }
0xa1: {  	s6 =	ssub.s32 $0x0, s21;
	[sflag:s23] =	ssyncset.done $0x0  }
0xa2: {  	[sflag:s23] =	ssyncadd.s32 s6;
	_ =	sdelay $0x1  }
0xa3: {  	s24 =	simm.s32 $0x1B8B  }
0xa4: {  	_ =	swait.ge [sflag:s24], $0x1  }
0xa5: {  	[sflag:s24] =	ssyncset.done $0x0  }
0xa6: {  	s25 =	simm.s32 $0x1B8E;
	[sflag:s24] =	ssyncadd.s32 $0xFFFFFFFF  }
0xa7: {  	s26 =	simm.s32 $execute0_lowered;
	[smem:$0x3FD2] =	sst s25  }
0xa8: {  	s6 =	sshll.u32 s26, $0x1;
	_ =	strace $0x80000046;
	[dreg:$0x1] =	wrdreg $0xFFFFFFFF  }
0xa9: {  	s28 =	simm.s32 $_size_execute0_lowered;
	s5 =	sadd.s32 s5, s6;
	[dreg:$0x0] =	wrdreg $0x0  }
0xaa: {  	s6 =	sshll.u32 s28, $0x1;
	[dreg:$0x2] =	wrdreg s5  }
0xab: {  	[dreg:$0x3] =	wrdreg s6  }
0xac: {  	[dreg:$0x4] =	wrdreg $0xC0  }
0xad: {  	_ =	task [dreg:s9], $0x5FFFF  }
0xae: {  	[dreg:$0x1] =	wrdreg $0xFFFFFFFF  }
0xaf: {  	[dreg:$0x0] =	wrdreg $0x60  }
0xb0: {  	[dreg:$0x2] =	wrdreg s2  }
0xb1: {  	[dreg:$0x3] =	wrdreg s19  }
0xb2: {  	[dreg:$0x4] =	wrdreg s4  }
0xb3: {  	[dreg:$0x5] =	wrdreg $0xC2000  }
0xb4: {  	[dreg:$0x6] =	wrdreg $0x9  }
0xb5: {  	_ =	task.clear_ibuf [dreg:s9], $0x7FFFF;
	_ =	strace $0x90000046  }
0xb6: {  	s29 =	simm.s32 $0x9;
	_ =	strace $0x80000048  }
0xb7: {  	_ =	swait.ge [sflag:s29], $0x1  }
0xb8: {  	[sflag:s29] =	ssyncadd.s32 $0xFFFFFFFF  }
0xb9: {  	_ =	strace $0x90000048  }
0xba: {  	_ =	sfence  }
0xbb: {  	s30 =	sld [smem:$0x0];
	_ =	sdelay $0x2  }
0xbc: {  	s31 =	sshll.u32 s1, $0xD;
	s1 =	sshrl.u32 s1, $0x2  }
0xbd: {  	s3 =	sand.u32 $0x4000, s31;
	s1 =	sadd.s32 s1, s30  }
0xbe: {  	s0 =	sor.u32 s3, s0;
	s1 =	sshll.u32 s1, $0x11  }
0xbf: {  	s0 =	sor.u32 s1, s0  }
0xc0: {  	s0 =	sadd.s32 $0x8F2B, s0  }
0xc1: {  	[sflag:s0] =	ssyncadd.remote.s32 $0x1  }
0xc2: {  	_ =	sfence.sel $0xFFFF  }
0xc3: {  	[dreg:$0x0] =	wrdreg $0xFFFFFFFF;
	(pc) =	sbr.abs _section_cstart, $3  }
0xc4: {  	[dreg:$0x1] =	wrdreg $0xFFFFFFFF  }
0xc5: {  	_ =	task.clear_ibuf [dreg:s9], $0x2FFFF;
	_ =	strace $0x9FFFFFFF  }
0xc6: {  	(tm) =	ssettm $0x7FFFFFFF  }
0xc7: {  	_ =	shalt  }
tec
execute0_lowered:
.L_overlay_start_1:
0x0: {  	(tag) =	ssettag $0x1  }
0x1: {  	s1 =	rddreg [dreg:$0x0]  }
0x2: {  	s2 =	rddreg [dreg:$0x1]  }
0x3: {  	s0 =	rddreg [dreg:$0x2];
	s17 =	stileid.u32  }
0x4: {  	s4 =	rddreg [dreg:$0x3];
	s8 =	smul.u32 $0x4E000, s17  }
0x5: {  	s3 =	srdreg.scid;
	s6 =	smul.u32 $0x4E, s17  }
0x6: {  	s5 =	simm.s32 $0x0;
	s28 =	simm.s32 $0x4;
	s10 =	smul.u32 $0x270000, s17  }
0x7: {  	s29 =	simm.s32 $0x400;
	s30 =	simm.s32 $0x800;
	s11 =	smul.u32 $0x2700, s17  }
0x8: {  	s31 =	simm.s32 $0x4200;
	s3 =	sand.u32 $0x1, s3;
	s15 =	smul.u32 $0x4E0, s17  }
0x9: {  	[smem:$0x7FF] =	sst s5;
	s14 =	sadd.s32 $0x138000, s4;
	s26 =	smul.u32 $0x27000, s17  }
0xa: {  	p0 =	sne.s32 s17, $0xF;
	p1 =	sgt.u32 s17, $0x1;
	s7 =	ssub.s32 $0x2, s3  }
0xb: {  	_ =	strace $0x80000047;
	s13 =	sshll.u32 s3, $0xA;
	s3 =	sshll.u32 s3, $0x7  }
0xc: {  	s9 =	sshrl.u32 s7, $0x1;
	s8 =	sshrl.u32 s8, $0x2;
	s20 =	sadd.s32 $0x4D, s6  }
0xd: {  	s10 =	sor.u32 s13, s10;
	s12 =	sor.u32 $0x80, s11;
	s11 =	sadd.s32 $0x100, s11  }
0xe: {  	s24 =	sadd.s32 s2, s15;
	s9 =	ssub.s32 s7, s9;
	s8 =	sadd.s32 s8, s4  }
0xf: {  	s10 =	sshrl.u32 s10, $0x3;
	[dreg:$0xa] =	wrdreg s24;
	s16 =	sadd.s32 $0x4000, s8  }
0x10: {  	s25 =	sshll.u32 s11, $0x8;
	s18 =	sadd.s32 $0x8000, s8;
	[dreg:$0x5] =	wrdreg s16  }
0x11: {  	s11 =	sshrl.u32 s11, $0x3;
	s19 =	sadd.s32 $0xC000, s8;
	[dreg:$0x6] =	wrdreg s18  }
0x12: {  	s21 =	sadd.s32 $0x10000, s8;
	s22 =	sadd.s32 s1, s10;
	[dreg:$0x7] =	wrdreg s19  }
0x13: {  	s15 =	sor.u32 s13, s25;
	[dreg:$0x8] =	wrdreg s21;
	s16 =	sshll.u32 s12, $0x8  }
0x14: {  	[dreg:$0x9] =	wrdreg s22;
	s12 =	sshrl.u32 s12, $0x3;
	s19 =	sshrl.u32 s15, $0x3  }
0x15: {  	s22 =	sshll.u32 s17, $0x7;
	s15 =	simm.s32 $0x0;
	s18 =	sadd.s32 s2, s12  }
0x16: {  	s23 =	sor.u32 s13, s16;
	s21 =	sadd.s32 s1, s19;
	[dreg:$0xc] =	wrdreg s18  }
0x17: {  	s10 =	sshrl.u32 s23, $0x3;
	[dreg:$0xd] =	wrdreg s21;
	s23 =	sor.u32 s13, s26  }
0x18: {  	s26 =	sadd.s32 s2, s11;
	s11 =	simm.s32 $0x2;
	s10 =	sadd.s32 s1, s10  }
0x19: {  	s12 =	sshrl.u32 s23, $0x3;
	[dreg:$0xf] =	wrdreg s26;
	s26 =	simm.s32 $0x200  }
0x1a: {  	[dreg:$0xb] =	wrdreg s10;
	s10 =	sor.u32 $0x27000, s22;
	s24 =	sadd.s32 s0, s12  }
0x1b: {  	s0 =	sadd.s32 s3, s0;
	s12 =	simm.s32 $0x3;
	[dreg:$0xe] =	wrdreg s24  }
0x1c: {  	s25 =	sshll.u32 s10, $0x8;
	s10 =	sshrl.u32 s10, $0x3;
	s24 =	sadd.s32 $0x4E000, s0  }
0x1d: {  	s0 =	simm.s32 $0x80;
	s3 =	sor.u32 s13, s25;
	s22 =	sadd.s32 s2, s10  }
0x1e: {  	s25 =	smax.u32 s9, $0x1;
	s9 =	simm.s32 $0x100;
	s3 =	sshrl.u32 s3, $0x3  }
0x1f: {  	v0 =	vimm.f32 $0.0e+00;
	s10 =	simm.s32 $0x1;
	s23 =	sadd.s32 s1, s3;
	s3 =	simm.s32 $0x8200  }
.LBB2_1:
0x20: {  	s16 =	simm.s32 $0x0;
	s17 =	simm.s32 $0x200  }
.LBB2_2:
0x21: {  	p2 =	sne.s32 s17, $0xFE00;
	[tilespmem:s16+$0x270] =	vst v0  }
0x22: {  	[tilespmem:s16+$0x200] =	vst v0  }
0x23: {  	[tilespmem:s16+$0x210] =	vst v0  }
.Ltmp0:
0x24: {  	[tilespmem:s16+$0x220] =	vst v0;
	(pc) =	sbr.rel @p2 .LBB2_2-.Ltmp0, $4  }
0x25: {  	[tilespmem:s16+$0x230] =	vst v0  }
0x26: {  	[tilespmem:s16+$0x240] =	vst v0  }
0x27: {  	[tilespmem:s16+$0x250] =	vst v0  }
0x28: {  	[tilespmem:s16+$0x260] =	vst v0;
	s16 =	sshra.s32 s17, $0x2;
	s17 =	sadd.s32 $0x200, s17  }
0x29: {  	[tilespmem:s16+$0x270] =	vst v0  }
0x2a: {  	[tilespmem:s16+$0x200] =	vst v0  }
0x2b: {  	[tilespmem:s16+$0x210] =	vst v0  }
0x2c: {  	[tilespmem:s16+$0x220] =	vst v0  }
0x2d: {  	[tilespmem:s16+$0x230] =	vst v0  }
0x2e: {  	[tilespmem:s16+$0x240] =	vst v0  }
0x2f: {  	[tilespmem:s16+$0x250] =	vst v0  }
0x30: {  	[tilespmem:s16+$0x260] =	vst v0  }
0x31: {  	[spmem:s8] =	stream.linear.scatter [tilespmem:s26], [sflag:$0x4], $0x4000, $0x38;
	[tilespmem:$0x1FA80] =	vst v63  }
0x32: {  	_ =	swait.ge [sflag:s28], $0x4000  }
0x33: {  	[sflag:s28] =	ssyncset.done $0x0  }
0x34: {  	s7 =	rddreg [dreg:$0x5];
	[sflag:s28] =	ssyncadd.s32 $0xFFFFC000  }
0x35: {  	[spmem:s7] =	stream.linear.scatter [tilespmem:s26], [sflag:$0x4], $0x4000, $0x38;
	[tilespmem:$0x1FA80] =	vst v63  }
0x36: {  	_ =	swait.ge [sflag:s28], $0x4000  }
0x37: {  	[sflag:s28] =	ssyncset.done $0x0  }
0x38: {  	s17 =	rddreg [dreg:$0x6];
	[sflag:s28] =	ssyncadd.s32 $0xFFFFC000  }
0x39: {  	[spmem:s17] =	stream.linear.scatter [tilespmem:s26], [sflag:$0x4], $0x4000, $0x38;
	[tilespmem:$0x1FA80] =	vst v63  }
0x3a: {  	_ =	swait.ge [sflag:s28], $0x4000  }
0x3b: {  	[sflag:s28] =	ssyncset.done $0x0  }
0x3c: {  	s18 =	rddreg [dreg:$0x7];
	[sflag:s28] =	ssyncadd.s32 $0xFFFFC000  }
0x3d: {  	[spmem:s18] =	stream.linear.scatter [tilespmem:s26], [sflag:$0x4], $0x4000, $0x38;
	[tilespmem:$0x1FA80] =	vst v63  }
0x3e: {  	_ =	swait.ge [sflag:s28], $0x4000  }
0x3f: {  	[sflag:s28] =	ssyncset.done $0x0  }
0x40: {  	s19 =	rddreg [dreg:$0x8];
	[sflag:s28] =	ssyncadd.s32 $0xFFFFC000  }
0x41: {  	[spmem:s19] =	stream.linear.scatter [tilespmem:s26], [sflag:$0x4], $0x3800, $0x38;
	[tilespmem:$0x1FA80] =	vst v63  }
0x42: {  	_ =	swait.ge [sflag:s28], $0x3800  }
0x43: {  	[sflag:s28] =	ssyncset.done $0x0  }
0x44: {  	s16 =	simm.s32 @!p0 $0x200;
	[sflag:s28] =	ssyncadd.s32 $0xFFFFC800  }
0x45: {  	[spmem:s14] =	stream.linear.scatter @!p0 [tilespmem:s16], [sflag:$0x4], $0x800, $0x38;
	[tilespmem:$0x1FA80] =	vst v63  }
0x46: {  	s16 =	simm.s32 @!p0 $0x4  }
0x47: {  	_ =	swait.ge @!p0 [sflag:s16], $0x800  }
0x48: {  	[sflag:s16] =	ssyncset.done @!p0 $0x0  }
0x49: {  	[sflag:s16] =	ssyncadd.s32 @!p0 $0xFFFFF800  }
0x4a: {  	[bflag:$0x0] =	sbarrier.arrive $0xFFFF  }
0x4b: {  	s21 =	rddreg [dreg:$0x9]  }
0x4c: {  	[tilespmem:s26], [sflag:$0x1] =	stream.strided.gather [hbm4b:s21+s29], $0x4000, s30, s29, $0x38;
	[tilespmem:$0x1FA80] =	vst v63  }
0x4d: {  	s16 =	rddreg [dreg:$0xa]  }
0x4e: {  	[tilespmem:s5], [sflag:$0x1] =	stream.linear.gather [hbm4b:s16+s5], $0x80, $0x38;
	[tilespmem:$0x1FA80] =	vst v63  }
0x4f: {  	s17 =	rddreg [dreg:$0xb]  }
0x50: {  	[tilespmem:s31], [sflag:$0x2] =	stream.strided.gather [hbm4b:s17+s29], $0x4000, s30, s29, $0x38;
	[tilespmem:$0x1FA80] =	vst v63  }
0x51: {  	s18 =	rddreg [dreg:$0xc]  }
0x52: {  	[tilespmem:s0], [sflag:$0x2] =	stream.linear.gather [hbm4b:s18+s5], $0x80, $0x38;
	[tilespmem:$0x1FA80] =	vst v63  }
0x53: {  	s19 =	rddreg [dreg:$0xd]  }
0x54: {  	[tilespmem:s3], [sflag:$0x3] =	stream.strided.gather [hbm4b:s19+s29], $0x4000, s30, s29, $0x38;
	[tilespmem:$0x1FA80] =	vst v63  }
0x55: {  	s21 =	rddreg [dreg:$0xf]  }
0x56: {  	[tilespmem:s9], [sflag:$0x3] =	stream.linear.gather [hbm4b:s21+s5], $0x80, $0x38;
	[tilespmem:$0x1FA80] =	vst v63  }
0x57: {  	_ =	swait.ge [sflag:s10], $0x4000  }
0x58: {  	s7 =	sadd.s32 $0xFFFFFFB2, s6;
	[sflag:s10] =	ssyncset.done $0x0  }
0x59: {  	s17 =	sadd.s32 $0x51, s7;
	[sflag:s10] =	ssyncadd.s32 $0xFFFFC000  }
0x5a: {  	p2 =	slt.s32 s17, s20;
	s18 =	smov.u32 s20;
	_ =	swait.ge [sflag:s10], $0x80  }
0x5b: {  	s18 =	smov.u32 @p2 s17;
	[sflag:s10] =	ssyncset.done $0x0  }
0x5c: {  	s17 =	sshll.u32 s18, $0xF;
	[sflag:s10] =	ssyncadd.s32 $0xFFFFFF80  }
0x5d: {  	[spmem:s4] =	stream.indirect.scatter.add.f32 [tilespmem:s26], [sflag:$0x4], $0x80, s5, s0, $0xb8;
	[tilespmem:$0x1FA80] =	vst v63  }
0x5e: {  	s17 =	sor.u32 s13, s17;
	_ =	swait.ge [sflag:s28], $0x4000  }
0x5f: {  	s17 =	sshrl.u32 s17, $0x3;
	[sflag:s28] =	ssyncset.done $0x0  }
0x60: {  	s18 =	sshll.u32 s18, $0x4;
	s17 =	sadd.s32 s1, s17;
	[sflag:s28] =	ssyncadd.s32 $0xFFFFC000  }
0x61: {  	[tilespmem:s26], [sflag:$0x1] =	stream.strided.gather [hbm4b:s17+s29], $0x4000, s30, s29, $0x38;
	[tilespmem:$0x1FA80] =	vst v63  }
0x62: {  	s19 =	sadd.s32 s2, s18  }
0x63: {  	[tilespmem:s5], [sflag:$0x1] =	stream.linear.gather [hbm4b:s19+s5], $0x80, $0x38;
	[tilespmem:$0x1FA80] =	vst v63  }
0x64: {  	_ =	swait.ge [sflag:s11], $0x4000  }
0x65: {  	[sflag:s11] =	ssyncset.done $0x0  }
0x66: {  	s17 =	sadd.s32 $0x52, s7;
	[sflag:s11] =	ssyncadd.s32 $0xFFFFC000  }
0x67: {  	s18 =	smov.u32 s20;
	p2 =	slt.s32 s17, s20;
	_ =	swait.ge [sflag:s11], $0x80  }
0x68: {  	s18 =	smov.u32 @p2 s17;
	[sflag:s11] =	ssyncset.done $0x0  }
0x69: {  	s17 =	sshll.u32 s18, $0xF;
	[sflag:s11] =	ssyncadd.s32 $0xFFFFFF80  }
0x6a: {  	[spmem:s4] =	stream.indirect.scatter.add.f32 [tilespmem:s31], [sflag:$0x4], $0x80, s0, s0, $0xb8;
	[tilespmem:$0x1FA80] =	vst v63  }
0x6b: {  	s17 =	sor.u32 s13, s17;
	_ =	swait.ge [sflag:s28], $0x4000  }
0x6c: {  	s17 =	sshrl.u32 s17, $0x3;
	[sflag:s28] =	ssyncset.done $0x0  }
0x6d: {  	s21 =	sshll.u32 s18, $0x4;
	s17 =	sadd.s32 s1, s17;
	[sflag:s28] =	ssyncadd.s32 $0xFFFFC000  }
0x6e: {  	[tilespmem:s31], [sflag:$0x2] =	stream.strided.gather [hbm4b:s17+s29], $0x4000, s30, s29, $0x38;
	[tilespmem:$0x1FA80] =	vst v63  }
0x6f: {  	s17 =	sadd.s32 s2, s21  }
0x70: {  	[tilespmem:s0], [sflag:$0x2] =	stream.linear.gather [hbm4b:s17+s5], $0x80, $0x38;
	[tilespmem:$0x1FA80] =	vst v63  }
0x71: {  	_ =	swait.ge [sflag:s12], $0x4000  }
0x72: {  	[sflag:s12] =	ssyncset.done $0x0  }
0x73: {  	s16 =	sadd.s32 $0x53, s7;
	[sflag:s12] =	ssyncadd.s32 $0xFFFFC000  }
0x74: {  	p2 =	slt.s32 s16, s20;
	s17 =	smov.u32 s20;
	_ =	swait.ge [sflag:s12], $0x80  }
0x75: {  	s17 =	smov.u32 @p2 s16;
	[sflag:s12] =	ssyncset.done $0x0  }
0x76: {  	s16 =	sshll.u32 s17, $0xF;
	[sflag:s12] =	ssyncadd.s32 $0xFFFFFF80  }
0x77: {  	[spmem:s4] =	stream.indirect.scatter.add.f32 [tilespmem:s3], [sflag:$0x4], $0x80, s9, s0, $0xb8;
	[tilespmem:$0x1FA80] =	vst v63  }
0x78: {  	s16 =	sor.u32 s13, s16;
	_ =	swait.ge [sflag:s28], $0x4000  }
0x79: {  	s16 =	sshrl.u32 s16, $0x3;
	[sflag:s28] =	ssyncset.done $0x0  }
0x7a: {  	s17 =	sshll.u32 s17, $0x4;
	s16 =	sadd.s32 s1, s16;
	[sflag:s28] =	ssyncadd.s32 $0xFFFFC000  }
0x7b: {  	[tilespmem:s3], [sflag:$0x3] =	stream.strided.gather [hbm4b:s16+s29], $0x4000, s30, s29, $0x38;
	[tilespmem:$0x1FA80] =	vst v63  }
0x7c: {  	s17 =	sadd.s32 s2, s17;
	s16 =	simm.s32 $0xFFFFFFB5  }
.LBB2_4:
0x7d: {  	p2 =	sne.s32 s16, $0xFFFFFFFD;
	s18 =	smov.u32 s16;
	s16 =	sadd.s32 $0x3, s16  }
0x7e: {  	[tilespmem:s9], [sflag:$0x3] =	stream.linear.gather [hbm4b:s17+s5], $0x80, $0x38;
	[tilespmem:$0x1FA80] =	vst v63  }
0x7f: {  	_ =	swait.ge [sflag:s10], $0x4000  }
0x80: {  	s7 =	smov.u32 s20;
	s17 =	sadd.s32 s18, s6;
	[sflag:s10] =	ssyncset.done $0x0  }
0x81: {  	s18 =	sadd.s32 $0x51, s17;
	s19 =	sadd.s32 $0x52, s17;
	[sflag:s10] =	ssyncadd.s32 $0xFFFFC000  }
0x82: {  	p3 =	slt.s32 s18, s20;
	p4 =	slt.s32 s19, s20;
	_ =	swait.ge [sflag:s10], $0x80  }
0x83: {  	s7 =	smov.u32 @p3 s18;
	s18 =	smov.u32 s20;
	[sflag:s10] =	ssyncset.done $0x0  }
0x84: {  	s18 =	smov.u32 @p4 s19;
	[sflag:s10] =	ssyncadd.s32 $0xFFFFFF80  }
0x85: {  	[spmem:s4] =	stream.indirect.scatter.add.f32 [tilespmem:s26], [sflag:$0x4], $0x80, s5, s0, $0xb8;
	[tilespmem:$0x1FA80] =	vst v63  }
0x86: {  	s19 =	sshll.u32 s7, $0xF;
	s7 =	sshll.u32 s7, $0x4;
	_ =	swait.ge [sflag:s28], $0x4000  }
0x87: {  	s19 =	sor.u32 s13, s19;
	s21 =	sshll.u32 s18, $0xF;
	[sflag:s28] =	ssyncset.done $0x0  }
0x88: {  	s19 =	sshrl.u32 s19, $0x3;
	s21 =	sor.u32 s13, s21;
	[sflag:s28] =	ssyncadd.s32 $0xFFFFC000  }
0x89: {  	s7 =	sadd.s32 s2, s7;
	s19 =	sadd.s32 s1, s19;
	s21 =	sshrl.u32 s21, $0x3  }
0x8a: {  	[tilespmem:s26], [sflag:$0x1] =	stream.strided.gather [hbm4b:s19+s29], $0x4000, s30, s29, $0x38;
	[tilespmem:$0x1FA80] =	vst v63  }
0x8b: {  	s17 =	sadd.s32 $0x53, s17;
	s18 =	sshll.u32 s18, $0x4  }
0x8c: {  	[tilespmem:s5], [sflag:$0x1] =	stream.linear.gather [hbm4b:s7+s5], $0x80, $0x38;
	[tilespmem:$0x1FA80] =	vst v63  }
0x8d: {  	p3 =	slt.s32 s17, s20;
	s7 =	smov.u32 s20;
	_ =	swait.ge [sflag:s11], $0x4000  }
0x8e: {  	s7 =	smov.u32 @p3 s17;
	[sflag:s11] =	ssyncset.done $0x0  }
0x8f: {  	s17 =	sshll.u32 s7, $0xF;
	s7 =	sshll.u32 s7, $0x4;
	[sflag:s11] =	ssyncadd.s32 $0xFFFFC000  }
0x90: {  	s17 =	sor.u32 s13, s17;
	_ =	swait.ge [sflag:s11], $0x80  }
0x91: {  	s17 =	sshrl.u32 s17, $0x3;
	[sflag:s11] =	ssyncset.done $0x0  }
0x92: {  	[sflag:s11] =	ssyncadd.s32 $0xFFFFFF80  }
0x93: {  	[spmem:s4] =	stream.indirect.scatter.add.f32 [tilespmem:s31], [sflag:$0x4], $0x80, s0, s0, $0xb8;
	[tilespmem:$0x1FA80] =	vst v63  }
0x94: {  	_ =	swait.ge [sflag:s28], $0x4000  }
0x95: {  	s19 =	sadd.s32 s1, s21;
	[sflag:s28] =	ssyncset.done $0x0  }
0x96: {  	s18 =	sadd.s32 s2, s18;
	[sflag:s28] =	ssyncadd.s32 $0xFFFFC000  }
0x97: {  	[tilespmem:s31], [sflag:$0x2] =	stream.strided.gather [hbm4b:s19+s29], $0x4000, s30, s29, $0x38;
	[tilespmem:$0x1FA80] =	vst v63  }
0x98: {  	_ = 	snop  }
0x99: {  	[tilespmem:s0], [sflag:$0x2] =	stream.linear.gather [hbm4b:s18+s5], $0x80, $0x38;
	[tilespmem:$0x1FA80] =	vst v63  }
0x9a: {  	_ =	swait.ge [sflag:s12], $0x4000  }
0x9b: {  	[sflag:s12] =	ssyncset.done $0x0  }
0x9c: {  	[sflag:s12] =	ssyncadd.s32 $0xFFFFC000  }
0x9d: {  	_ =	swait.ge [sflag:s12], $0x80  }
0x9e: {  	[sflag:s12] =	ssyncset.done $0x0  }
0x9f: {  	[sflag:s12] =	ssyncadd.s32 $0xFFFFFF80  }
0xa0: {  	[spmem:s4] =	stream.indirect.scatter.add.f32 [tilespmem:s3], [sflag:$0x4], $0x80, s9, s0, $0xb8;
	[tilespmem:$0x1FA80] =	vst v63  }
.Ltmp1:
0xa1: {  	_ = 	snop;
	(pc) =	sbr.rel @p2 .LBB2_4-.Ltmp1, $4  }
0xa2: {  	_ =	swait.ge [sflag:s28], $0x4000  }
0xa3: {  	s18 =	sadd.s32 s1, s17;
	[sflag:s28] =	ssyncset.done $0x0  }
0xa4: {  	s17 =	sadd.s32 s2, s7;
	[sflag:s28] =	ssyncadd.s32 $0xFFFFC000  }
0xa5: {  	[tilespmem:s3], [sflag:$0x3] =	stream.strided.gather [hbm4b:s18+s29], $0x4000, s30, s29, $0x38;
	[tilespmem:$0x1FA80] =	vst v63  }
0xa6: {  	[tilespmem:s9], [sflag:$0x3] =	stream.linear.gather [hbm4b:s17+s5], $0x80, $0x38;
	[tilespmem:$0x1FA80] =	vst v63  }
0xa7: {  	_ =	swait.ge [sflag:s10], $0x4000  }
0xa8: {  	[sflag:s10] =	ssyncset.done $0x0  }
0xa9: {  	[sflag:s10] =	ssyncadd.s32 $0xFFFFC000  }
0xaa: {  	_ =	swait.ge [sflag:s10], $0x80  }
0xab: {  	[sflag:s10] =	ssyncset.done $0x0  }
0xac: {  	[sflag:s10] =	ssyncadd.s32 $0xFFFFFF80  }
0xad: {  	_ =	swait.ge [sflag:s11], $0x4000  }
0xae: {  	[sflag:s11] =	ssyncset.done $0x0  }
0xaf: {  	[sflag:s11] =	ssyncadd.s32 $0xFFFFC000  }
0xb0: {  	_ =	swait.ge [sflag:s11], $0x80  }
0xb1: {  	[sflag:s11] =	ssyncset.done $0x0  }
0xb2: {  	[sflag:s11] =	ssyncadd.s32 $0xFFFFFF80  }
0xb3: {  	_ =	swait.ge [sflag:s12], $0x4000  }
0xb4: {  	[sflag:s12] =	ssyncset.done $0x0  }
0xb5: {  	[sflag:s12] =	ssyncadd.s32 $0xFFFFC000  }
0xb6: {  	_ =	swait.ge [sflag:s12], $0x80  }
0xb7: {  	[sflag:s12] =	ssyncset.done $0x0  }
0xb8: {  	s7 =	simm.s32 @!p1 $0x0;
	s16 =	simm.s32 @!p1 $0x4;
	[sflag:s12] =	ssyncadd.s32 $0xFFFFFF80  }
0xb9: {  	[tilespmem:s7], [sflag:$0x4] =	stream.linear.gather @!p1 [hbm4b:s22+s7], $0x80, $0x38;
	[tilespmem:$0x1FA80] =	vst v63  }
0xba: {  	_ =	swait.ge @!p1 [sflag:s16], $0x80  }
0xbb: {  	s17 =	simm.s32 @!p1 $0x400;
	[sflag:s16] =	ssyncset.done @!p1 $0x0  }
0xbc: {  	s18 =	simm.s32 @!p1 $0x800;
	s19 =	simm.s32 @!p1 $0x200;
	[sflag:s16] =	ssyncadd.s32 @!p1 $0xFFFFFF80  }
0xbd: {  	[tilespmem:s19], [sflag:$0x4] =	stream.strided.gather @!p1 [hbm4b:s23+s17], $0x4000, s18, s17, $0x38;
	[tilespmem:$0x1FA80] =	vst v63  }
0xbe: {  	_ =	swait.ge @!p1 [sflag:s16], $0x4000  }
0xbf: {  	[sflag:s16] =	ssyncset.done @!p1 $0x0  }
0xc0: {  	s17 =	simm.s32 @!p1 $0x80;
	[sflag:s16] =	ssyncadd.s32 @!p1 $0xFFFFC000  }
0xc1: {  	[spmem:s4] =	stream.indirect.scatter.add.f32 @!p1 [tilespmem:s19], [sflag:$0x4], $0x80, s7, s17, $0xb8;
	[tilespmem:$0x1FA80] =	vst v63  }
0xc2: {  	_ =	swait.ge @!p1 [sflag:s16], $0x4000  }
0xc3: {  	[sflag:s16] =	ssyncset.done @!p1 $0x0  }
0xc4: {  	s21 =	simm.s32 $0x8;
	s17 =	stileid.u32;
	[sflag:s16] =	ssyncadd.s32 @!p1 $0xFFFFC000  }
0xc5: {  	s15 =	sadd.s32 $0x1, s15;
	s7 =	sshll.u32 s17, $0x6;
	[bflag:$0x0] =	sbarrier.arrive $0xFFFF  }
0xc6: {  	s18 =	sshrl.u32 s8, $0x3;
	s7 =	sor.u32 $0x1C04, s7;
	s19 =	rddreg [dreg:$0xe]  }
0xc7: {  	[hbm:s19@s9], [sflag:s7] =	dma.strided [spmem:s18@s0], $0x2700, s21, $0x10   }
0xc8: {  	p2 =	sne.s32 s15, s25;
	_ =	swait.ge [sflag:s28], $0x2700  }
0xc9: {  	s17 =	simm.s32 @!p0 $0x8;
	s16 =	sshrl.u32 @!p0 s14, $0x3;
	[sflag:s28] =	ssyncset.done $0x0  }
0xca: {  	s18 =	simm.s32 @!p0 $0x100;
	s19 =	simm.s32 @!p0 $0x80;
	[sflag:s28] =	ssyncadd.s32 $0xFFFFD900  }
0xcb: {  	[hbm:s24@s18], [sflag:s7] =	dma.strided @!p0 [spmem:s16@s19], $0x100, s17, $0x10   }
.Ltmp2:
0xcc: {  	_ = 	snop;
	(pc) =	sbr.rel @p2 .LBB2_1-.Ltmp2, $4  }
0xcd: {  	s7 =	simm.s32 @!p0 $0x4  }
0xce: {  	_ =	swait.ge @!p0 [sflag:s7], $0x100  }
0xcf: {  	[sflag:s7] =	ssyncset.done @!p0 $0x0  }
0xd0: {  	[sflag:s7] =	ssyncadd.s32 @!p0 $0xFFFFFF00  }
0xd1: {  	_ =	sfence.sel $0x180000  }
0xd2: {  	[bflag:$0x0] =	sbarrier.arrive $0xFFFF  }
0xd3: {  	_ =	strace $0x90000047  }
0xd4: {  	s0 =	stileid.u32;
	[bflag:$0x2] =	sbarrier.arrive $0xFFFF  }
0xd5: {  	p0 =	sne.s32 s0, $0x0;
	s0 =	rddreg [dreg:$0x4]  }
0xd6: {  	s0 =	sadd.s32 @!p0 $0x100000, s0  }
0xd7: {  	[sflag:s0] =	ssyncadd.tile.s32 @!p0 $0x1;
	_ =	shalt  }
.Lfunc_end2:
_tile_overlayer_lowered:
.L_overlay_start_2:
0xd8: {  	(tag) =	ssettag $0x2  }
0xd9: {  	s0 =	rddreg [dreg:$0x0];
	s2 =	stileid.u32  }
0xda: {  	s1 =	rddreg [dreg:$0x1];
	p0 =	sne.s32 s2, $0x0  }
0xdb: {  	s3 =	rddreg [dreg:$0x2];
	[bflag:$0x3] =	sbarrier.arrive $0xFFFF;
	s2 =	simm.s32 @!p0 $0x1C04  }
0xdc: {  	[timem:s3], [sflag:s2] =	dma.local @!p0 [hbm:s0], s1  }
0xdd: {  	s0 =	simm.s32 @!p0 $0x4  }
0xde: {  	_ =	swait.ge @!p0 [sflag:s0], s1  }
0xdf: {  	s1 =	ssub.s32 @!p0 $0x0, s1;
	[sflag:s0] =	ssyncset.done @!p0 $0x0  }
0xe0: {  	[sflag:s0] =	ssyncadd.s32 @!p0 s1  }
0xe1: {  	[bflag:$0x3] =	sbarrier.arrive $0xFFFF  }
0xe2: {  	_ =	shalt  }

</sc_bundles>
